<compile_context>
chip_gen: v7x
topology: tpu7x:2x2x1
jax: 0.10.2.dev20260603
libtpu: 0.0.44.dev20260713+nightly
codegen_flags: <defaults>
</compile_context>

<pallas_src>
import jax
import jax.numpy as jnp
from jax import lax
from jax.experimental import pallas as pl
from jax.experimental.pallas import tpu as pltpu
from jax.experimental.pallas import tpu_sc as plsc

_NUM_CORES = 2
_NUM_SUBCORES = 16
_LANES = 16
_NUM_WORKERS = _NUM_CORES * _NUM_SUBCORES

_B = 16384
_D_T, _D_C, _D_R = 16, 8, 8
_D_OUT = _D_T + _D_C + _D_R
_N_COMB = 5 * 2 * 2
_B_PER_W = _B // _NUM_WORKERS
_GROUPS = _B_PER_W // _LANES
_CHUNK = 128


def _build_body(tw_ref, cw_ref, rw_ref, comb_ref):
    k = lax.broadcasted_iota(jnp.int32, (_N_COMB, 5), 0)
    v = lax.broadcasted_iota(jnp.int32, (_N_COMB, 5), 1)
    oh_t = (k // 4 == v).astype(jnp.float32)
    k2 = lax.broadcasted_iota(jnp.int32, (_N_COMB, 2), 0)
    v2 = lax.broadcasted_iota(jnp.int32, (_N_COMB, 2), 1)
    oh_c = ((k2 // 2) % 2 == v2).astype(jnp.float32)
    oh_r = (k2 % 2 == v2).astype(jnp.float32)
    t = jnp.dot(oh_t, tw_ref[...], preferred_element_type=jnp.float32)
    c = jnp.dot(oh_c, cw_ref[...], preferred_element_type=jnp.float32)
    r = jnp.dot(oh_r, rw_ref[...], preferred_element_type=jnp.float32)
    comb_ref[...] = jnp.concatenate(
        [t, c, r, jnp.zeros((_N_COMB, 128 - _D_OUT), jnp.float32)], axis=1)


def _lookup_body(tid_hbm, cid_hbm, rid_hbm, comb_hbm, out_hbm,
                 tid_v, cid_v, rid_v, idx_v, rows_v, sem):
    cid_ax = lax.axis_index("c")
    sid_ax = lax.axis_index("s")
    wid = sid_ax * _NUM_CORES + cid_ax
    base = wid * _B_PER_W

    pltpu.sync_copy(tid_hbm.at[pl.ds(base, _B_PER_W)], tid_v)
    pltpu.sync_copy(cid_hbm.at[pl.ds(base, _B_PER_W)], cid_v)
    pltpu.sync_copy(rid_hbm.at[pl.ds(base, _B_PER_W)], rid_v)

    for g in range(_GROUPS):
        chunk, off = divmod(g * _LANES, _CHUNK)
        sl = pl.ds(g * _LANES, _LANES)
        idx_v[chunk, pl.ds(off, _LANES)] = (
            tid_v[sl] * 4 + cid_v[sl] * 2 + rid_v[sl])

    for ch in range(_B_PER_W // _CHUNK):
        pltpu.async_copy(comb_hbm.at[idx_v.at[ch]],
                         rows_v.at[pl.ds(ch * _CHUNK, _CHUNK)], sem).wait()
    pltpu.sync_copy(rows_v, out_hbm.at[pl.ds(base, _B_PER_W)])


@jax.jit
def _run(tid, cid, rid, tw, cw, rw):
    comb = pl.pallas_call(
        _build_body,
        out_shape=jax.ShapeDtypeStruct((_N_COMB, 128), jnp.float32),
    )(tw, cw, rw)

    mesh = plsc.VectorSubcoreMesh(core_axis_name="c", subcore_axis_name="s")
    out128 = pl.kernel(
        _lookup_body,
        out_type=jax.ShapeDtypeStruct((_B, 128), jnp.float32),
        mesh=mesh,
        compiler_params=pltpu.CompilerParams(needs_layout_passes=False),
        scratch_types=[
            pltpu.VMEM((_B_PER_W,), jnp.int32),
            pltpu.VMEM((_B_PER_W,), jnp.int32),
            pltpu.VMEM((_B_PER_W,), jnp.int32),
            pltpu.VMEM((_B_PER_W // _CHUNK, _CHUNK), jnp.int32),
            pltpu.VMEM((_B_PER_W, 128), jnp.float32),
            pltpu.SemaphoreType.DMA,
        ],
    )(tid, cid, rid, comb)
    return out128[:, :_D_OUT]


def kernel(timepoint_ids, condition_ids, region_ids, timepoint_weight,
           condition_weight, region_weight):
    return _run(
        jnp.asarray(timepoint_ids, jnp.int32),
        jnp.asarray(condition_ids, jnp.int32),
        jnp.asarray(region_ids, jnp.int32),
        timepoint_weight,
        condition_weight,
        region_weight,
    )

# --- scband reference (transcript-rebuilt; emitter-appended) ---
"""Pipeline reference for scband-metadata-embedder-45028437131714 (READ-ONLY COPY).

The authoritative reference and input builder live on the scoring server;
editing this copy changes nothing except your own understanding.
"""

import jax, jax.numpy as jnp
import numpy as np


def _init_timepoint_weights(ages):
    ages_arr = np.array(ages, dtype=np.float32)
    shifted = ages_arr - ages_arr.min() + 1.0
    log_ages = np.log(shifted)
    log_ages = (log_ages - log_ages.min()) / (log_ages.max() - log_ages.min() + 1e-08)
    rng = np.random.RandomState(42)
    proj = rng.randn(1, 16).astype(np.float32) * 0.1
    return (log_ages[:, None] * proj).astype(np.float32)


def setup_inputs(seed: int = 0) -> dict:
    key = jax.random.key(seed)
    k1, k2, k3, k4, k5 = jax.random.split(key, 5)
    B = 16384
    timepoint_ids = jax.random.randint(k1, (B,), 0, 5, dtype=jnp.int64 if jax.config.jax_enable_x64 else jnp.int32)
    condition_ids = jax.random.randint(k2, (B,), 0, 2, dtype=jnp.int64 if jax.config.jax_enable_x64 else jnp.int32)
    region_ids = jax.random.randint(k3, (B,), 0, 2, dtype=jnp.int64 if jax.config.jax_enable_x64 else jnp.int32)
    timepoint_ages = [-6.0, 0.0, 7.0, 28.0, 189.0]
    timepoint_weight = jnp.asarray(_init_timepoint_weights(timepoint_ages))  # [5, 16]
    # nn.Embedding default init is N(0, 1)
    condition_weight = jax.random.normal(k4, (2, 8), dtype=jnp.float32)
    region_weight = jax.random.normal(k5, (2, 8), dtype=jnp.float32)
    return {
        "timepoint_ids": timepoint_ids,
        "condition_ids": condition_ids,
        "region_ids": region_ids,
        "timepoint_weight": timepoint_weight,
        "condition_weight": condition_weight,
        "region_weight": region_weight,
    }


def reference(timepoint_ids, condition_ids, region_ids, timepoint_weight, condition_weight, region_weight):
    t = jnp.take(timepoint_weight, timepoint_ids, axis=0)  # [B, 16]
    c = jnp.take(condition_weight, condition_ids, axis=0)  # [B, 8]
    r = jnp.take(region_weight, region_ids, axis=0)        # [B, 8]
    m = jnp.concatenate([t, c, r], axis=-1)                # [B, 32]
    return m

if __name__ == "__main__":
    import jax
    _d = setup_inputs()
    print(jax.jit(kernel)(*tuple(_d.values())))

</pallas_src>

<mosaic_0001>
#map = affine_map<(d0, d1) -> (0)>
#map1 = affine_map<(d0, d1) -> (0, 0)>
module attributes {stable_mosaic.version = 14 : i64} {
  func.func @_lookup_body(%arg0: i32, %arg1: i32, %arg2: memref<16384xi32, #tpu.memory_space<hbm>>, %arg3: memref<16384xi32, #tpu.memory_space<hbm>>, %arg4: memref<16384xi32, #tpu.memory_space<hbm>>, %arg5: memref<20x128xf32, #tpu.memory_space<hbm>>, %arg6: memref<16384x128xf32, #tpu.memory_space<hbm>>, %arg7: memref<512xi32, #tpu.memory_space<vmem>>, %arg8: memref<512xi32, #tpu.memory_space<vmem>>, %arg9: memref<512xi32, #tpu.memory_space<vmem>>, %arg10: memref<4x128xi32, #tpu.memory_space<vmem>>, %arg11: memref<512x128xf32, #tpu.memory_space<vmem>>, %arg12: memref<!tpu.dma_semaphore, #tpu.memory_space<semaphore_mem>>) attributes {dimension_semantics = [#tpu.dimension_semantics<core_parallel>, #tpu.dimension_semantics<subcore_parallel>], iteration_bounds = array<i64: 2, 16>, scalar_prefetch = 0 : i64, scratch_operands = 6 : i64, tpu.core_type = #tpu.core_type<sc_vector_subcore>, window_params = [{transform_indices = #map}, {transform_indices = #map}, {transform_indices = #map}, {transform_indices = #map1}, {transform_indices = #map1}]} {
    %mul3A = arith.constant 2 : i32
    %mul3A_0 = arith.muli %arg1, %mul3A : i32
    %add3A = arith.addi %mul3A_0, %arg0 : i32
    %mul3A_1 = arith.constant 512 : i32
    %mul3A_2 = arith.muli %add3A, %mul3A_1 : i32
    "tpu.region"() ({
      %run_scoped3A = tpu.sem_alloc : memref<!tpu.dma_semaphore, #tpu.memory_space<semaphore_mem>>
      %dma_start3A_655 = tpu.memref_slice %arg2[%mul3A_2] : memref<16384xi32, #tpu.memory_space<hbm>> -> memref<512xi32, #tpu.memory_space<hbm>>
      %dma_start3A_656 = tpu.memref_slice %arg2[%mul3A_2] : memref<16384xi32, #tpu.memory_space<hbm>> -> memref<512xi32, #tpu.memory_space<hbm>>
      tpu.enqueue_dma source(%dma_start3A_656 : memref<512xi32, #tpu.memory_space<hbm>>) target(%arg7 : memref<512xi32, #tpu.memory_space<vmem>>) target_semaphore(%run_scoped3A : memref<!tpu.dma_semaphore, #tpu.memory_space<semaphore_mem>>)
      %dma_wait3A_657 = tpu.memref_slice %arg2[%mul3A_2] : memref<16384xi32, #tpu.memory_space<hbm>> -> memref<512xi32, #tpu.memory_space<hbm>>
      %dma_wait3A_658 = tpu.memref_slice %arg2[%mul3A_2] : memref<16384xi32, #tpu.memory_space<hbm>> -> memref<512xi32, #tpu.memory_space<hbm>>
      tpu.wait_dma2 semaphore(%run_scoped3A : memref<!tpu.dma_semaphore, #tpu.memory_space<semaphore_mem>>) src(%dma_wait3A_658 : memref<512xi32, #tpu.memory_space<hbm>>) dst(%arg7 : memref<512xi32, #tpu.memory_space<vmem>>)
      tpu.yield
    }) : () -> ()
    "tpu.region"() ({
      %run_scoped3A = tpu.sem_alloc : memref<!tpu.dma_semaphore, #tpu.memory_space<semaphore_mem>>
      %dma_start3A_655 = tpu.memref_slice %arg3[%mul3A_2] : memref<16384xi32, #tpu.memory_space<hbm>> -> memref<512xi32, #tpu.memory_space<hbm>>
      %dma_start3A_656 = tpu.memref_slice %arg3[%mul3A_2] : memref<16384xi32, #tpu.memory_space<hbm>> -> memref<512xi32, #tpu.memory_space<hbm>>
      tpu.enqueue_dma source(%dma_start3A_656 : memref<512xi32, #tpu.memory_space<hbm>>) target(%arg8 : memref<512xi32, #tpu.memory_space<vmem>>) target_semaphore(%run_scoped3A : memref<!tpu.dma_semaphore, #tpu.memory_space<semaphore_mem>>)
      %dma_wait3A_657 = tpu.memref_slice %arg3[%mul3A_2] : memref<16384xi32, #tpu.memory_space<hbm>> -> memref<512xi32, #tpu.memory_space<hbm>>
      %dma_wait3A_658 = tpu.memref_slice %arg3[%mul3A_2] : memref<16384xi32, #tpu.memory_space<hbm>> -> memref<512xi32, #tpu.memory_space<hbm>>
      tpu.wait_dma2 semaphore(%run_scoped3A : memref<!tpu.dma_semaphore, #tpu.memory_space<semaphore_mem>>) src(%dma_wait3A_658 : memref<512xi32, #tpu.memory_space<hbm>>) dst(%arg8 : memref<512xi32, #tpu.memory_space<vmem>>)
      tpu.yield
    }) : () -> ()
    "tpu.region"() ({
      %run_scoped3A = tpu.sem_alloc : memref<!tpu.dma_semaphore, #tpu.memory_space<semaphore_mem>>
      %dma_start3A_655 = tpu.memref_slice %arg4[%mul3A_2] : memref<16384xi32, #tpu.memory_space<hbm>> -> memref<512xi32, #tpu.memory_space<hbm>>
      %dma_start3A_656 = tpu.memref_slice %arg4[%mul3A_2] : memref<16384xi32, #tpu.memory_space<hbm>> -> memref<512xi32, #tpu.memory_space<hbm>>
      tpu.enqueue_dma source(%dma_start3A_656 : memref<512xi32, #tpu.memory_space<hbm>>) target(%arg9 : memref<512xi32, #tpu.memory_space<vmem>>) target_semaphore(%run_scoped3A : memref<!tpu.dma_semaphore, #tpu.memory_space<semaphore_mem>>)
      %dma_wait3A_657 = tpu.memref_slice %arg4[%mul3A_2] : memref<16384xi32, #tpu.memory_space<hbm>> -> memref<512xi32, #tpu.memory_space<hbm>>
      %dma_wait3A_658 = tpu.memref_slice %arg4[%mul3A_2] : memref<16384xi32, #tpu.memory_space<hbm>> -> memref<512xi32, #tpu.memory_space<hbm>>
      tpu.wait_dma2 semaphore(%run_scoped3A : memref<!tpu.dma_semaphore, #tpu.memory_space<semaphore_mem>>) src(%dma_wait3A_658 : memref<512xi32, #tpu.memory_space<hbm>>) dst(%arg9 : memref<512xi32, #tpu.memory_space<vmem>>)
      tpu.yield
    }) : () -> ()
    %get3A = arith.constant 0 : index
    %get3A_3 = tpu.vector_load %arg7[%get3A] {strides = array<i32>} : memref<512xi32, #tpu.memory_space<vmem>>, vector<16xi32>,
    %mul3A_4 = arith.constant 4 : i32
    %mul3A_5 = vector.broadcast %mul3A_4 : i32 to vector<16xi32>
    %mul3A_6 = arith.muli %get3A_3, %mul3A_5 : vector<16xi32>
    %get3A_7 = arith.constant 0 : index
    %get3A_8 = tpu.vector_load %arg8[%get3A_7] {strides = array<i32>} : memref<512xi32, #tpu.memory_space<vmem>>, vector<16xi32>,
    %mul3A_9 = arith.constant 2 : i32
    %mul3A_10 = vector.broadcast %mul3A_9 : i32 to vector<16xi32>
    %mul3A_11 = arith.muli %get3A_8, %mul3A_10 : vector<16xi32>
    %add3A_12 = arith.addi %mul3A_6, %mul3A_11 : vector<16xi32>
    %get3A_13 = arith.constant 0 : index
    %get3A_14 = tpu.vector_load %arg9[%get3A_13] {strides = array<i32>} : memref<512xi32, #tpu.memory_space<vmem>>, vector<16xi32>,
    %add3A_15 = arith.addi %add3A_12, %get3A_14 : vector<16xi32>
    %swap3A = arith.constant 0 : i32
    %swap3A_16 = arith.index_cast %swap3A : i32 to index
    %swap3A_17 = arith.constant 0 : index
    %swap3A_18 = tpu.vector_load %arg10[%swap3A_16, %swap3A_17] {strides = array<i32>} : memref<4x128xi32, #tpu.memory_space<vmem>>, vector<16xi32>,
    tpu.vector_store %arg10[%swap3A_16, %swap3A_17], %add3A_15 {strides = array<i32>} : memref<4x128xi32, #tpu.memory_space<vmem>>, vector<16xi32>,
    %get3A_19 = arith.constant 16 : index
    %get3A_20 = tpu.vector_load %arg7[%get3A_19] {strides = array<i32>} : memref<512xi32, #tpu.memory_space<vmem>>, vector<16xi32>,
    %mul3A_21 = arith.constant 4 : i32
    %mul3A_22 = vector.broadcast %mul3A_21 : i32 to vector<16xi32>
    %mul3A_23 = arith.muli %get3A_20, %mul3A_22 : vector<16xi32>
    %get3A_24 = arith.constant 16 : index
    %get3A_25 = tpu.vector_load %arg8[%get3A_24] {strides = array<i32>} : memref<512xi32, #tpu.memory_space<vmem>>, vector<16xi32>,
    %mul3A_26 = arith.constant 2 : i32
    %mul3A_27 = vector.broadcast %mul3A_26 : i32 to vector<16xi32>
    %mul3A_28 = arith.muli %get3A_25, %mul3A_27 : vector<16xi32>
    %add3A_29 = arith.addi %mul3A_23, %mul3A_28 : vector<16xi32>
    %get3A_30 = arith.constant 16 : index
    %get3A_31 = tpu.vector_load %arg9[%get3A_30] {strides = array<i32>} : memref<512xi32, #tpu.memory_space<vmem>>, vector<16xi32>,
    %add3A_32 = arith.addi %add3A_29, %get3A_31 : vector<16xi32>
    %swap3A_33 = arith.constant 0 : i32
    %swap3A_34 = arith.index_cast %swap3A_33 : i32 to index
    %swap3A_35 = arith.constant 16 : index
    %swap3A_36 = tpu.vector_load %arg10[%swap3A_34, %swap3A_35] {strides = array<i32>} : memref<4x128xi32, #tpu.memory_space<vmem>>, vector<16xi32>,
    tpu.vector_store %arg10[%swap3A_34, %swap3A_35], %add3A_32 {strides = array<i32>} : memref<4x128xi32, #tpu.memory_space<vmem>>, vector<16xi32>,
    %get3A_37 = arith.constant 32 : index
    %get3A_38 = tpu.vector_load %arg7[%get3A_37] {strides = array<i32>} : memref<512xi32, #tpu.memory_space<vmem>>, vector<16xi32>,
    %mul3A_39 = arith.constant 4 : i32
    %mul3A_40 = vector.broadcast %mul3A_39 : i32 to vector<16xi32>
    %mul3A_41 = arith.muli %get3A_38, %mul3A_40 : vector<16xi32>
    %get3A_42 = arith.constant 32 : index
    %get3A_43 = tpu.vector_load %arg8[%get3A_42] {strides = array<i32>} : memref<512xi32, #tpu.memory_space<vmem>>, vector<16xi32>,
    %mul3A_44 = arith.constant 2 : i32
    %mul3A_45 = vector.broadcast %mul3A_44 : i32 to vector<16xi32>
    %mul3A_46 = arith.muli %get3A_43, %mul3A_45 : vector<16xi32>
    %add3A_47 = arith.addi %mul3A_41, %mul3A_46 : vector<16xi32>
    %get3A_48 = arith.constant 32 : index
    %get3A_49 = tpu.vector_load %arg9[%get3A_48] {strides = array<i32>} : memref<512xi32, #tpu.memory_space<vmem>>, vector<16xi32>,
    %add3A_50 = arith.addi %add3A_47, %get3A_49 : vector<16xi32>
    %swap3A_51 = arith.constant 0 : i32
    %swap3A_52 = arith.index_cast %swap3A_51 : i32 to index
    %swap3A_53 = arith.constant 32 : index
    %swap3A_54 = tpu.vector_load %arg10[%swap3A_52, %swap3A_53] {strides = array<i32>} : memref<4x128xi32, #tpu.memory_space<vmem>>, vector<16xi32>,
    tpu.vector_store %arg10[%swap3A_52, %swap3A_53], %add3A_50 {strides = array<i32>} : memref<4x128xi32, #tpu.memory_space<vmem>>, vector<16xi32>,
    %get3A_55 = arith.constant 48 : index
    %get3A_56 = tpu.vector_load %arg7[%get3A_55] {strides = array<i32>} : memref<512xi32, #tpu.memory_space<vmem>>, vector<16xi32>,
    %mul3A_57 = arith.constant 4 : i32
    %mul3A_58 = vector.broadcast %mul3A_57 : i32 to vector<16xi32>
    %mul3A_59 = arith.muli %get3A_56, %mul3A_58 : vector<16xi32>
    %get3A_60 = arith.constant 48 : index
    %get3A_61 = tpu.vector_load %arg8[%get3A_60] {strides = array<i32>} : memref<512xi32, #tpu.memory_space<vmem>>, vector<16xi32>,
    %mul3A_62 = arith.constant 2 : i32
    %mul3A_63 = vector.broadcast %mul3A_62 : i32 to vector<16xi32>
    %mul3A_64 = arith.muli %get3A_61, %mul3A_63 : vector<16xi32>
    %add3A_65 = arith.addi %mul3A_59, %mul3A_64 : vector<16xi32>
    %get3A_66 = arith.constant 48 : index
    %get3A_67 = tpu.vector_load %arg9[%get3A_66] {strides = array<i32>} : memref<512xi32, #tpu.memory_space<vmem>>, vector<16xi32>,
    %add3A_68 = arith.addi %add3A_65, %get3A_67 : vector<16xi32>
    %swap3A_69 = arith.constant 0 : i32
    %swap3A_70 = arith.index_cast %swap3A_69 : i32 to index
    %swap3A_71 = arith.constant 48 : index
    %swap3A_72 = tpu.vector_load %arg10[%swap3A_70, %swap3A_71] {strides = array<i32>} : memref<4x128xi32, #tpu.memory_space<vmem>>, vector<16xi32>,
    tpu.vector_store %arg10[%swap3A_70, %swap3A_71], %add3A_68 {strides = array<i32>} : memref<4x128xi32, #tpu.memory_space<vmem>>, vector<16xi32>,
    %get3A_73 = arith.constant 64 : index
    %get3A_74 = tpu.vector_load %arg7[%get3A_73] {strides = array<i32>} : memref<512xi32, #tpu.memory_space<vmem>>, vector<16xi32>,
    %mul3A_75 = arith.constant 4 : i32
    %mul3A_76 = vector.broadcast %mul3A_75 : i32 to vector<16xi32>
    %mul3A_77 = arith.muli %get3A_74, %mul3A_76 : vector<16xi32>
    %get3A_78 = arith.constant 64 : index
    %get3A_79 = tpu.vector_load %arg8[%get3A_78] {strides = array<i32>} : memref<512xi32, #tpu.memory_space<vmem>>, vector<16xi32>,
    %mul3A_80 = arith.constant 2 : i32
    %mul3A_81 = vector.broadcast %mul3A_80 : i32 to vector<16xi32>
    %mul3A_82 = arith.muli %get3A_79, %mul3A_81 : vector<16xi32>
    %add3A_83 = arith.addi %mul3A_77, %mul3A_82 : vector<16xi32>
    %get3A_84 = arith.constant 64 : index
    %get3A_85 = tpu.vector_load %arg9[%get3A_84] {strides = array<i32>} : memref<512xi32, #tpu.memory_space<vmem>>, vector<16xi32>,
    %add3A_86 = arith.addi %add3A_83, %get3A_85 : vector<16xi32>
    %swap3A_87 = arith.constant 0 : i32
    %swap3A_88 = arith.index_cast %swap3A_87 : i32 to index
    %swap3A_89 = arith.constant 64 : index
    %swap3A_90 = tpu.vector_load %arg10[%swap3A_88, %swap3A_89] {strides = array<i32>} : memref<4x128xi32, #tpu.memory_space<vmem>>, vector<16xi32>,
    tpu.vector_store %arg10[%swap3A_88, %swap3A_89], %add3A_86 {strides = array<i32>} : memref<4x128xi32, #tpu.memory_space<vmem>>, vector<16xi32>,
    %get3A_91 = arith.constant 80 : index
    %get3A_92 = tpu.vector_load %arg7[%get3A_91] {strides = array<i32>} : memref<512xi32, #tpu.memory_space<vmem>>, vector<16xi32>,
    %mul3A_93 = arith.constant 4 : i32
    %mul3A_94 = vector.broadcast %mul3A_93 : i32 to vector<16xi32>
    %mul3A_95 = arith.muli %get3A_92, %mul3A_94 : vector<16xi32>
    %get3A_96 = arith.constant 80 : index
    %get3A_97 = tpu.vector_load %arg8[%get3A_96] {strides = array<i32>} : memref<512xi32, #tpu.memory_space<vmem>>, vector<16xi32>,
    %mul3A_98 = arith.constant 2 : i32
    %mul3A_99 = vector.broadcast %mul3A_98 : i32 to vector<16xi32>
    %mul3A_100 = arith.muli %get3A_97, %mul3A_99 : vector<16xi32>
    %add3A_101 = arith.addi %mul3A_95, %mul3A_100 : vector<16xi32>
    %get3A_102 = arith.constant 80 : index
    %get3A_103 = tpu.vector_load %arg9[%get3A_102] {strides = array<i32>} : memref<512xi32, #tpu.memory_space<vmem>>, vector<16xi32>,
    %add3A_104 = arith.addi %add3A_101, %get3A_103 : vector<16xi32>
    %swap3A_105 = arith.constant 0 : i32
    %swap3A_106 = arith.index_cast %swap3A_105 : i32 to index
    %swap3A_107 = arith.constant 80 : index
    %swap3A_108 = tpu.vector_load %arg10[%swap3A_106, %swap3A_107] {strides = array<i32>} : memref<4x128xi32, #tpu.memory_space<vmem>>, vector<16xi32>,
    tpu.vector_store %arg10[%swap3A_106, %swap3A_107], %add3A_104 {strides = array<i32>} : memref<4x128xi32, #tpu.memory_space<vmem>>, vector<16xi32>,
    %get3A_109 = arith.constant 96 : index
    %get3A_110 = tpu.vector_load %arg7[%get3A_109] {strides = array<i32>} : memref<512xi32, #tpu.memory_space<vmem>>, vector<16xi32>,
    %mul3A_111 = arith.constant 4 : i32
    %mul3A_112 = vector.broadcast %mul3A_111 : i32 to vector<16xi32>
    %mul3A_113 = arith.muli %get3A_110, %mul3A_112 : vector<16xi32>
    %get3A_114 = arith.constant 96 : index
    %get3A_115 = tpu.vector_load %arg8[%get3A_114] {strides = array<i32>} : memref<512xi32, #tpu.memory_space<vmem>>, vector<16xi32>,
    %mul3A_116 = arith.constant 2 : i32
    %mul3A_117 = vector.broadcast %mul3A_116 : i32 to vector<16xi32>
    %mul3A_118 = arith.muli %get3A_115, %mul3A_117 : vector<16xi32>
    %add3A_119 = arith.addi %mul3A_113, %mul3A_118 : vector<16xi32>
    %get3A_120 = arith.constant 96 : index
    %get3A_121 = tpu.vector_load %arg9[%get3A_120] {strides = array<i32>} : memref<512xi32, #tpu.memory_space<vmem>>, vector<16xi32>,
    %add3A_122 = arith.addi %add3A_119, %get3A_121 : vector<16xi32>
    %swap3A_123 = arith.constant 0 : i32
    %swap3A_124 = arith.index_cast %swap3A_123 : i32 to index
    %swap3A_125 = arith.constant 96 : index
    %swap3A_126 = tpu.vector_load %arg10[%swap3A_124, %swap3A_125] {strides = array<i32>} : memref<4x128xi32, #tpu.memory_space<vmem>>, vector<16xi32>,
    tpu.vector_store %arg10[%swap3A_124, %swap3A_125], %add3A_122 {strides = array<i32>} : memref<4x128xi32, #tpu.memory_space<vmem>>, vector<16xi32>,
    %get3A_127 = arith.constant 112 : index
    %get3A_128 = tpu.vector_load %arg7[%get3A_127] {strides = array<i32>} : memref<512xi32, #tpu.memory_space<vmem>>, vector<16xi32>,
    %mul3A_129 = arith.constant 4 : i32
    %mul3A_130 = vector.broadcast %mul3A_129 : i32 to vector<16xi32>
    %mul3A_131 = arith.muli %get3A_128, %mul3A_130 : vector<16xi32>
    %get3A_132 = arith.constant 112 : index
    %get3A_133 = tpu.vector_load %arg8[%get3A_132] {strides = array<i32>} : memref<512xi32, #tpu.memory_space<vmem>>, vector<16xi32>,
    %mul3A_134 = arith.constant 2 : i32
    %mul3A_135 = vector.broadcast %mul3A_134 : i32 to vector<16xi32>
    %mul3A_136 = arith.muli %get3A_133, %mul3A_135 : vector<16xi32>
    %add3A_137 = arith.addi %mul3A_131, %mul3A_136 : vector<16xi32>
    %get3A_138 = arith.constant 112 : index
    %get3A_139 = tpu.vector_load %arg9[%get3A_138] {strides = array<i32>} : memref<512xi32, #tpu.memory_space<vmem>>, vector<16xi32>,
    %add3A_140 = arith.addi %add3A_137, %get3A_139 : vector<16xi32>
    %swap3A_141 = arith.constant 0 : i32
    %swap3A_142 = arith.index_cast %swap3A_141 : i32 to index
    %swap3A_143 = arith.constant 112 : index
    %swap3A_144 = tpu.vector_load %arg10[%swap3A_142, %swap3A_143] {strides = array<i32>} : memref<4x128xi32, #tpu.memory_space<vmem>>, vector<16xi32>,
    tpu.vector_store %arg10[%swap3A_142, %swap3A_143], %add3A_140 {strides = array<i32>} : memref<4x128xi32, #tpu.memory_space<vmem>>, vector<16xi32>,
    %get3A_145 = arith.constant 128 : index
    %get3A_146 = tpu.vector_load %arg7[%get3A_145] {strides = array<i32>} : memref<512xi32, #tpu.memory_space<vmem>>, vector<16xi32>,
    %mul3A_147 = arith.constant 4 : i32
    %mul3A_148 = vector.broadcast %mul3A_147 : i32 to vector<16xi32>
    %mul3A_149 = arith.muli %get3A_146, %mul3A_148 : vector<16xi32>
    %get3A_150 = arith.constant 128 : index
    %get3A_151 = tpu.vector_load %arg8[%get3A_150] {strides = array<i32>} : memref<512xi32, #tpu.memory_space<vmem>>, vector<16xi32>,
    %mul3A_152 = arith.constant 2 : i32
    %mul3A_153 = vector.broadcast %mul3A_152 : i32 to vector<16xi32>
    %mul3A_154 = arith.muli %get3A_151, %mul3A_153 : vector<16xi32>
    %add3A_155 = arith.addi %mul3A_149, %mul3A_154 : vector<16xi32>
    %get3A_156 = arith.constant 128 : index
    %get3A_157 = tpu.vector_load %arg9[%get3A_156] {strides = array<i32>} : memref<512xi32, #tpu.memory_space<vmem>>, vector<16xi32>,
    %add3A_158 = arith.addi %add3A_155, %get3A_157 : vector<16xi32>
    %swap3A_159 = arith.constant 1 : i32
    %swap3A_160 = arith.index_cast %swap3A_159 : i32 to index
    %swap3A_161 = arith.constant 0 : index
    %swap3A_162 = tpu.vector_load %arg10[%swap3A_160, %swap3A_161] {strides = array<i32>} : memref<4x128xi32, #tpu.memory_space<vmem>>, vector<16xi32>,
    tpu.vector_store %arg10[%swap3A_160, %swap3A_161], %add3A_158 {strides = array<i32>} : memref<4x128xi32, #tpu.memory_space<vmem>>, vector<16xi32>,
    %get3A_163 = arith.constant 144 : index
    %get3A_164 = tpu.vector_load %arg7[%get3A_163] {strides = array<i32>} : memref<512xi32, #tpu.memory_space<vmem>>, vector<16xi32>,
    %mul3A_165 = arith.constant 4 : i32
    %mul3A_166 = vector.broadcast %mul3A_165 : i32 to vector<16xi32>
    %mul3A_167 = arith.muli %get3A_164, %mul3A_166 : vector<16xi32>
    %get3A_168 = arith.constant 144 : index
    %get3A_169 = tpu.vector_load %arg8[%get3A_168] {strides = array<i32>} : memref<512xi32, #tpu.memory_space<vmem>>, vector<16xi32>,
    %mul3A_170 = arith.constant 2 : i32
    %mul3A_171 = vector.broadcast %mul3A_170 : i32 to vector<16xi32>
    %mul3A_172 = arith.muli %get3A_169, %mul3A_171 : vector<16xi32>
    %add3A_173 = arith.addi %mul3A_167, %mul3A_172 : vector<16xi32>
    %get3A_174 = arith.constant 144 : index
    %get3A_175 = tpu.vector_load %arg9[%get3A_174] {strides = array<i32>} : memref<512xi32, #tpu.memory_space<vmem>>, vector<16xi32>,
    %add3A_176 = arith.addi %add3A_173, %get3A_175 : vector<16xi32>
    %swap3A_177 = arith.constant 1 : i32
    %swap3A_178 = arith.index_cast %swap3A_177 : i32 to index
    %swap3A_179 = arith.constant 16 : index
    %swap3A_180 = tpu.vector_load %arg10[%swap3A_178, %swap3A_179] {strides = array<i32>} : memref<4x128xi32, #tpu.memory_space<vmem>>, vector<16xi32>,
    tpu.vector_store %arg10[%swap3A_178, %swap3A_179], %add3A_176 {strides = array<i32>} : memref<4x128xi32, #tpu.memory_space<vmem>>, vector<16xi32>,
    %get3A_181 = arith.constant 160 : index
    %get3A_182 = tpu.vector_load %arg7[%get3A_181] {strides = array<i32>} : memref<512xi32, #tpu.memory_space<vmem>>, vector<16xi32>,
    %mul3A_183 = arith.constant 4 : i32
    %mul3A_184 = vector.broadcast %mul3A_183 : i32 to vector<16xi32>
    %mul3A_185 = arith.muli %get3A_182, %mul3A_184 : vector<16xi32>
    %get3A_186 = arith.constant 160 : index
    %get3A_187 = tpu.vector_load %arg8[%get3A_186] {strides = array<i32>} : memref<512xi32, #tpu.memory_space<vmem>>, vector<16xi32>,
    %mul3A_188 = arith.constant 2 : i32
    %mul3A_189 = vector.broadcast %mul3A_188 : i32 to vector<16xi32>
    %mul3A_190 = arith.muli %get3A_187, %mul3A_189 : vector<16xi32>
    %add3A_191 = arith.addi %mul3A_185, %mul3A_190 : vector<16xi32>
    %get3A_192 = arith.constant 160 : index
    %get3A_193 = tpu.vector_load %arg9[%get3A_192] {strides = array<i32>} : memref<512xi32, #tpu.memory_space<vmem>>, vector<16xi32>,
    %add3A_194 = arith.addi %add3A_191, %get3A_193 : vector<16xi32>
    %swap3A_195 = arith.constant 1 : i32
    %swap3A_196 = arith.index_cast %swap3A_195 : i32 to index
    %swap3A_197 = arith.constant 32 : index
    %swap3A_198 = tpu.vector_load %arg10[%swap3A_196, %swap3A_197] {strides = array<i32>} : memref<4x128xi32, #tpu.memory_space<vmem>>, vector<16xi32>,
    tpu.vector_store %arg10[%swap3A_196, %swap3A_197], %add3A_194 {strides = array<i32>} : memref<4x128xi32, #tpu.memory_space<vmem>>, vector<16xi32>,
    %get3A_199 = arith.constant 176 : index
    %get3A_200 = tpu.vector_load %arg7[%get3A_199] {strides = array<i32>} : memref<512xi32, #tpu.memory_space<vmem>>, vector<16xi32>,
    %mul3A_201 = arith.constant 4 : i32
    %mul3A_202 = vector.broadcast %mul3A_201 : i32 to vector<16xi32>
    %mul3A_203 = arith.muli %get3A_200, %mul3A_202 : vector<16xi32>
    %get3A_204 = arith.constant 176 : index
    %get3A_205 = tpu.vector_load %arg8[%get3A_204] {strides = array<i32>} : memref<512xi32, #tpu.memory_space<vmem>>, vector<16xi32>,
    %mul3A_206 = arith.constant 2 : i32
    %mul3A_207 = vector.broadcast %mul3A_206 : i32 to vector<16xi32>
    %mul3A_208 = arith.muli %get3A_205, %mul3A_207 : vector<16xi32>
    %add3A_209 = arith.addi %mul3A_203, %mul3A_208 : vector<16xi32>
    %get3A_210 = arith.constant 176 : index
    %get3A_211 = tpu.vector_load %arg9[%get3A_210] {strides = array<i32>} : memref<512xi32, #tpu.memory_space<vmem>>, vector<16xi32>,
    %add3A_212 = arith.addi %add3A_209, %get3A_211 : vector<16xi32>
    %swap3A_213 = arith.constant 1 : i32
    %swap3A_214 = arith.index_cast %swap3A_213 : i32 to index
    %swap3A_215 = arith.constant 48 : index
    %swap3A_216 = tpu.vector_load %arg10[%swap3A_214, %swap3A_215] {strides = array<i32>} : memref<4x128xi32, #tpu.memory_space<vmem>>, vector<16xi32>,
    tpu.vector_store %arg10[%swap3A_214, %swap3A_215], %add3A_212 {strides = array<i32>} : memref<4x128xi32, #tpu.memory_space<vmem>>, vector<16xi32>,
    %get3A_217 = arith.constant 192 : index
    %get3A_218 = tpu.vector_load %arg7[%get3A_217] {strides = array<i32>} : memref<512xi32, #tpu.memory_space<vmem>>, vector<16xi32>,
    %mul3A_219 = arith.constant 4 : i32
    %mul3A_220 = vector.broadcast %mul3A_219 : i32 to vector<16xi32>
    %mul3A_221 = arith.muli %get3A_218, %mul3A_220 : vector<16xi32>
    %get3A_222 = arith.constant 192 : index
    %get3A_223 = tpu.vector_load %arg8[%get3A_222] {strides = array<i32>} : memref<512xi32, #tpu.memory_space<vmem>>, vector<16xi32>,
    %mul3A_224 = arith.constant 2 : i32
    %mul3A_225 = vector.broadcast %mul3A_224 : i32 to vector<16xi32>
    %mul3A_226 = arith.muli %get3A_223, %mul3A_225 : vector<16xi32>
    %add3A_227 = arith.addi %mul3A_221, %mul3A_226 : vector<16xi32>
    %get3A_228 = arith.constant 192 : index
    %get3A_229 = tpu.vector_load %arg9[%get3A_228] {strides = array<i32>} : memref<512xi32, #tpu.memory_space<vmem>>, vector<16xi32>,
    %add3A_230 = arith.addi %add3A_227, %get3A_229 : vector<16xi32>
    %swap3A_231 = arith.constant 1 : i32
    %swap3A_232 = arith.index_cast %swap3A_231 : i32 to index
    %swap3A_233 = arith.constant 64 : index
    %swap3A_234 = tpu.vector_load %arg10[%swap3A_232, %swap3A_233] {strides = array<i32>} : memref<4x128xi32, #tpu.memory_space<vmem>>, vector<16xi32>,
    tpu.vector_store %arg10[%swap3A_232, %swap3A_233], %add3A_230 {strides = array<i32>} : memref<4x128xi32, #tpu.memory_space<vmem>>, vector<16xi32>,
    %get3A_235 = arith.constant 208 : index
    %get3A_236 = tpu.vector_load %arg7[%get3A_235] {strides = array<i32>} : memref<512xi32, #tpu.memory_space<vmem>>, vector<16xi32>,
    %mul3A_237 = arith.constant 4 : i32
    %mul3A_238 = vector.broadcast %mul3A_237 : i32 to vector<16xi32>
    %mul3A_239 = arith.muli %get3A_236, %mul3A_238 : vector<16xi32>
    %get3A_240 = arith.constant 208 : index
    %get3A_241 = tpu.vector_load %arg8[%get3A_240] {strides = array<i32>} : memref<512xi32, #tpu.memory_space<vmem>>, vector<16xi32>,
    %mul3A_242 = arith.constant 2 : i32
    %mul3A_243 = vector.broadcast %mul3A_242 : i32 to vector<16xi32>
    %mul3A_244 = arith.muli %get3A_241, %mul3A_243 : vector<16xi32>
    %add3A_245 = arith.addi %mul3A_239, %mul3A_244 : vector<16xi32>
    %get3A_246 = arith.constant 208 : index
    %get3A_247 = tpu.vector_load %arg9[%get3A_246] {strides = array<i32>} : memref<512xi32, #tpu.memory_space<vmem>>, vector<16xi32>,
    %add3A_248 = arith.addi %add3A_245, %get3A_247 : vector<16xi32>
    %swap3A_249 = arith.constant 1 : i32
    %swap3A_250 = arith.index_cast %swap3A_249 : i32 to index
    %swap3A_251 = arith.constant 80 : index
    %swap3A_252 = tpu.vector_load %arg10[%swap3A_250, %swap3A_251] {strides = array<i32>} : memref<4x128xi32, #tpu.memory_space<vmem>>, vector<16xi32>,
    tpu.vector_store %arg10[%swap3A_250, %swap3A_251], %add3A_248 {strides = array<i32>} : memref<4x128xi32, #tpu.memory_space<vmem>>, vector<16xi32>,
    %get3A_253 = arith.constant 224 : index
    %get3A_254 = tpu.vector_load %arg7[%get3A_253] {strides = array<i32>} : memref<512xi32, #tpu.memory_space<vmem>>, vector<16xi32>,
    %mul3A_255 = arith.constant 4 : i32
    %mul3A_256 = vector.broadcast %mul3A_255 : i32 to vector<16xi32>
    %mul3A_257 = arith.muli %get3A_254, %mul3A_256 : vector<16xi32>
    %get3A_258 = arith.constant 224 : index
    %get3A_259 = tpu.vector_load %arg8[%get3A_258] {strides = array<i32>} : memref<512xi32, #tpu.memory_space<vmem>>, vector<16xi32>,
    %mul3A_260 = arith.constant 2 : i32
    %mul3A_261 = vector.broadcast %mul3A_260 : i32 to vector<16xi32>
    %mul3A_262 = arith.muli %get3A_259, %mul3A_261 : vector<16xi32>
    %add3A_263 = arith.addi %mul3A_257, %mul3A_262 : vector<16xi32>
    %get3A_264 = arith.constant 224 : index
    %get3A_265 = tpu.vector_load %arg9[%get3A_264] {strides = array<i32>} : memref<512xi32, #tpu.memory_space<vmem>>, vector<16xi32>,
    %add3A_266 = arith.addi %add3A_263, %get3A_265 : vector<16xi32>
    %swap3A_267 = arith.constant 1 : i32
    %swap3A_268 = arith.index_cast %swap3A_267 : i32 to index
    %swap3A_269 = arith.constant 96 : index
    %swap3A_270 = tpu.vector_load %arg10[%swap3A_268, %swap3A_269] {strides = array<i32>} : memref<4x128xi32, #tpu.memory_space<vmem>>, vector<16xi32>,
    tpu.vector_store %arg10[%swap3A_268, %swap3A_269], %add3A_266 {strides = array<i32>} : memref<4x128xi32, #tpu.memory_space<vmem>>, vector<16xi32>,
    %get3A_271 = arith.constant 240 : index
    %get3A_272 = tpu.vector_load %arg7[%get3A_271] {strides = array<i32>} : memref<512xi32, #tpu.memory_space<vmem>>, vector<16xi32>,
    %mul3A_273 = arith.constant 4 : i32
    %mul3A_274 = vector.broadcast %mul3A_273 : i32 to vector<16xi32>
    %mul3A_275 = arith.muli %get3A_272, %mul3A_274 : vector<16xi32>
    %get3A_276 = arith.constant 240 : index
    %get3A_277 = tpu.vector_load %arg8[%get3A_276] {strides = array<i32>} : memref<512xi32, #tpu.memory_space<vmem>>, vector<16xi32>,
    %mul3A_278 = arith.constant 2 : i32
    %mul3A_279 = vector.broadcast %mul3A_278 : i32 to vector<16xi32>
    %mul3A_280 = arith.muli %get3A_277, %mul3A_279 : vector<16xi32>
    %add3A_281 = arith.addi %mul3A_275, %mul3A_280 : vector<16xi32>
    %get3A_282 = arith.constant 240 : index
    %get3A_283 = tpu.vector_load %arg9[%get3A_282] {strides = array<i32>} : memref<512xi32, #tpu.memory_space<vmem>>, vector<16xi32>,
    %add3A_284 = arith.addi %add3A_281, %get3A_283 : vector<16xi32>
    %swap3A_285 = arith.constant 1 : i32
    %swap3A_286 = arith.index_cast %swap3A_285 : i32 to index
    %swap3A_287 = arith.constant 112 : index
    %swap3A_288 = tpu.vector_load %arg10[%swap3A_286, %swap3A_287] {strides = array<i32>} : memref<4x128xi32, #tpu.memory_space<vmem>>, vector<16xi32>,
    tpu.vector_store %arg10[%swap3A_286, %swap3A_287], %add3A_284 {strides = array<i32>} : memref<4x128xi32, #tpu.memory_space<vmem>>, vector<16xi32>,
    %get3A_289 = arith.constant 256 : index
    %get3A_290 = tpu.vector_load %arg7[%get3A_289] {strides = array<i32>} : memref<512xi32, #tpu.memory_space<vmem>>, vector<16xi32>,
    %mul3A_291 = arith.constant 4 : i32
    %mul3A_292 = vector.broadcast %mul3A_291 : i32 to vector<16xi32>
    %mul3A_293 = arith.muli %get3A_290, %mul3A_292 : vector<16xi32>
    %get3A_294 = arith.constant 256 : index
    %get3A_295 = tpu.vector_load %arg8[%get3A_294] {strides = array<i32>} : memref<512xi32, #tpu.memory_space<vmem>>, vector<16xi32>,
    %mul3A_296 = arith.constant 2 : i32
    %mul3A_297 = vector.broadcast %mul3A_296 : i32 to vector<16xi32>
    %mul3A_298 = arith.muli %get3A_295, %mul3A_297 : vector<16xi32>
    %add3A_299 = arith.addi %mul3A_293, %mul3A_298 : vector<16xi32>
    %get3A_300 = arith.constant 256 : index
    %get3A_301 = tpu.vector_load %arg9[%get3A_300] {strides = array<i32>} : memref<512xi32, #tpu.memory_space<vmem>>, vector<16xi32>,
    %add3A_302 = arith.addi %add3A_299, %get3A_301 : vector<16xi32>
    %swap3A_303 = arith.constant 2 : i32
    %swap3A_304 = arith.index_cast %swap3A_303 : i32 to index
    %swap3A_305 = arith.constant 0 : index
    %swap3A_306 = tpu.vector_load %arg10[%swap3A_304, %swap3A_305] {strides = array<i32>} : memref<4x128xi32, #tpu.memory_space<vmem>>, vector<16xi32>,
    tpu.vector_store %arg10[%swap3A_304, %swap3A_305], %add3A_302 {strides = array<i32>} : memref<4x128xi32, #tpu.memory_space<vmem>>, vector<16xi32>,
    %get3A_307 = arith.constant 272 : index
    %get3A_308 = tpu.vector_load %arg7[%get3A_307] {strides = array<i32>} : memref<512xi32, #tpu.memory_space<vmem>>, vector<16xi32>,
    %mul3A_309 = arith.constant 4 : i32
    %mul3A_310 = vector.broadcast %mul3A_309 : i32 to vector<16xi32>
    %mul3A_311 = arith.muli %get3A_308, %mul3A_310 : vector<16xi32>
    %get3A_312 = arith.constant 272 : index
    %get3A_313 = tpu.vector_load %arg8[%get3A_312] {strides = array<i32>} : memref<512xi32, #tpu.memory_space<vmem>>, vector<16xi32>,
    %mul3A_314 = arith.constant 2 : i32
    %mul3A_315 = vector.broadcast %mul3A_314 : i32 to vector<16xi32>
    %mul3A_316 = arith.muli %get3A_313, %mul3A_315 : vector<16xi32>
    %add3A_317 = arith.addi %mul3A_311, %mul3A_316 : vector<16xi32>
    %get3A_318 = arith.constant 272 : index
    %get3A_319 = tpu.vector_load %arg9[%get3A_318] {strides = array<i32>} : memref<512xi32, #tpu.memory_space<vmem>>, vector<16xi32>,
    %add3A_320 = arith.addi %add3A_317, %get3A_319 : vector<16xi32>
    %swap3A_321 = arith.constant 2 : i32
    %swap3A_322 = arith.index_cast %swap3A_321 : i32 to index
    %swap3A_323 = arith.constant 16 : index
    %swap3A_324 = tpu.vector_load %arg10[%swap3A_322, %swap3A_323] {strides = array<i32>} : memref<4x128xi32, #tpu.memory_space<vmem>>, vector<16xi32>,
    tpu.vector_store %arg10[%swap3A_322, %swap3A_323], %add3A_320 {strides = array<i32>} : memref<4x128xi32, #tpu.memory_space<vmem>>, vector<16xi32>,
    %get3A_325 = arith.constant 288 : index
    %get3A_326 = tpu.vector_load %arg7[%get3A_325] {strides = array<i32>} : memref<512xi32, #tpu.memory_space<vmem>>, vector<16xi32>,
    %mul3A_327 = arith.constant 4 : i32
    %mul3A_328 = vector.broadcast %mul3A_327 : i32 to vector<16xi32>
    %mul3A_329 = arith.muli %get3A_326, %mul3A_328 : vector<16xi32>
    %get3A_330 = arith.constant 288 : index
    %get3A_331 = tpu.vector_load %arg8[%get3A_330] {strides = array<i32>} : memref<512xi32, #tpu.memory_space<vmem>>, vector<16xi32>,
    %mul3A_332 = arith.constant 2 : i32
    %mul3A_333 = vector.broadcast %mul3A_332 : i32 to vector<16xi32>
    %mul3A_334 = arith.muli %get3A_331, %mul3A_333 : vector<16xi32>
    %add3A_335 = arith.addi %mul3A_329, %mul3A_334 : vector<16xi32>
    %get3A_336 = arith.constant 288 : index
    %get3A_337 = tpu.vector_load %arg9[%get3A_336] {strides = array<i32>} : memref<512xi32, #tpu.memory_space<vmem>>, vector<16xi32>,
    %add3A_338 = arith.addi %add3A_335, %get3A_337 : vector<16xi32>
    %swap3A_339 = arith.constant 2 : i32
    %swap3A_340 = arith.index_cast %swap3A_339 : i32 to index
    %swap3A_341 = arith.constant 32 : index
    %swap3A_342 = tpu.vector_load %arg10[%swap3A_340, %swap3A_341] {strides = array<i32>} : memref<4x128xi32, #tpu.memory_space<vmem>>, vector<16xi32>,
    tpu.vector_store %arg10[%swap3A_340, %swap3A_341], %add3A_338 {strides = array<i32>} : memref<4x128xi32, #tpu.memory_space<vmem>>, vector<16xi32>,
    %get3A_343 = arith.constant 304 : index
    %get3A_344 = tpu.vector_load %arg7[%get3A_343] {strides = array<i32>} : memref<512xi32, #tpu.memory_space<vmem>>, vector<16xi32>,
    %mul3A_345 = arith.constant 4 : i32
    %mul3A_346 = vector.broadcast %mul3A_345 : i32 to vector<16xi32>
    %mul3A_347 = arith.muli %get3A_344, %mul3A_346 : vector<16xi32>
    %get3A_348 = arith.constant 304 : index
    %get3A_349 = tpu.vector_load %arg8[%get3A_348] {strides = array<i32>} : memref<512xi32, #tpu.memory_space<vmem>>, vector<16xi32>,
    %mul3A_350 = arith.constant 2 : i32
    %mul3A_351 = vector.broadcast %mul3A_350 : i32 to vector<16xi32>
    %mul3A_352 = arith.muli %get3A_349, %mul3A_351 : vector<16xi32>
    %add3A_353 = arith.addi %mul3A_347, %mul3A_352 : vector<16xi32>
    %get3A_354 = arith.constant 304 : index
    %get3A_355 = tpu.vector_load %arg9[%get3A_354] {strides = array<i32>} : memref<512xi32, #tpu.memory_space<vmem>>, vector<16xi32>,
    %add3A_356 = arith.addi %add3A_353, %get3A_355 : vector<16xi32>
    %swap3A_357 = arith.constant 2 : i32
    %swap3A_358 = arith.index_cast %swap3A_357 : i32 to index
    %swap3A_359 = arith.constant 48 : index
    %swap3A_360 = tpu.vector_load %arg10[%swap3A_358, %swap3A_359] {strides = array<i32>} : memref<4x128xi32, #tpu.memory_space<vmem>>, vector<16xi32>,
    tpu.vector_store %arg10[%swap3A_358, %swap3A_359], %add3A_356 {strides = array<i32>} : memref<4x128xi32, #tpu.memory_space<vmem>>, vector<16xi32>,
    %get3A_361 = arith.constant 320 : index
    %get3A_362 = tpu.vector_load %arg7[%get3A_361] {strides = array<i32>} : memref<512xi32, #tpu.memory_space<vmem>>, vector<16xi32>,
    %mul3A_363 = arith.constant 4 : i32
    %mul3A_364 = vector.broadcast %mul3A_363 : i32 to vector<16xi32>
    %mul3A_365 = arith.muli %get3A_362, %mul3A_364 : vector<16xi32>
    %get3A_366 = arith.constant 320 : index
    %get3A_367 = tpu.vector_load %arg8[%get3A_366] {strides = array<i32>} : memref<512xi32, #tpu.memory_space<vmem>>, vector<16xi32>,
    %mul3A_368 = arith.constant 2 : i32
    %mul3A_369 = vector.broadcast %mul3A_368 : i32 to vector<16xi32>
    %mul3A_370 = arith.muli %get3A_367, %mul3A_369 : vector<16xi32>
    %add3A_371 = arith.addi %mul3A_365, %mul3A_370 : vector<16xi32>
    %get3A_372 = arith.constant 320 : index
    %get3A_373 = tpu.vector_load %arg9[%get3A_372] {strides = array<i32>} : memref<512xi32, #tpu.memory_space<vmem>>, vector<16xi32>,
    %add3A_374 = arith.addi %add3A_371, %get3A_373 : vector<16xi32>
    %swap3A_375 = arith.constant 2 : i32
    %swap3A_376 = arith.index_cast %swap3A_375 : i32 to index
    %swap3A_377 = arith.constant 64 : index
    %swap3A_378 = tpu.vector_load %arg10[%swap3A_376, %swap3A_377] {strides = array<i32>} : memref<4x128xi32, #tpu.memory_space<vmem>>, vector<16xi32>,
    tpu.vector_store %arg10[%swap3A_376, %swap3A_377], %add3A_374 {strides = array<i32>} : memref<4x128xi32, #tpu.memory_space<vmem>>, vector<16xi32>,
    %get3A_379 = arith.constant 336 : index
    %get3A_380 = tpu.vector_load %arg7[%get3A_379] {strides = array<i32>} : memref<512xi32, #tpu.memory_space<vmem>>, vector<16xi32>,
    %mul3A_381 = arith.constant 4 : i32
    %mul3A_382 = vector.broadcast %mul3A_381 : i32 to vector<16xi32>
    %mul3A_383 = arith.muli %get3A_380, %mul3A_382 : vector<16xi32>
    %get3A_384 = arith.constant 336 : index
    %get3A_385 = tpu.vector_load %arg8[%get3A_384] {strides = array<i32>} : memref<512xi32, #tpu.memory_space<vmem>>, vector<16xi32>,
    %mul3A_386 = arith.constant 2 : i32
    %mul3A_387 = vector.broadcast %mul3A_386 : i32 to vector<16xi32>
    %mul3A_388 = arith.muli %get3A_385, %mul3A_387 : vector<16xi32>
    %add3A_389 = arith.addi %mul3A_383, %mul3A_388 : vector<16xi32>
    %get3A_390 = arith.constant 336 : index
    %get3A_391 = tpu.vector_load %arg9[%get3A_390] {strides = array<i32>} : memref<512xi32, #tpu.memory_space<vmem>>, vector<16xi32>,
    %add3A_392 = arith.addi %add3A_389, %get3A_391 : vector<16xi32>
    %swap3A_393 = arith.constant 2 : i32
    %swap3A_394 = arith.index_cast %swap3A_393 : i32 to index
    %swap3A_395 = arith.constant 80 : index
    %swap3A_396 = tpu.vector_load %arg10[%swap3A_394, %swap3A_395] {strides = array<i32>} : memref<4x128xi32, #tpu.memory_space<vmem>>, vector<16xi32>,
    tpu.vector_store %arg10[%swap3A_394, %swap3A_395], %add3A_392 {strides = array<i32>} : memref<4x128xi32, #tpu.memory_space<vmem>>, vector<16xi32>,
    %get3A_397 = arith.constant 352 : index
    %get3A_398 = tpu.vector_load %arg7[%get3A_397] {strides = array<i32>} : memref<512xi32, #tpu.memory_space<vmem>>, vector<16xi32>,
    %mul3A_399 = arith.constant 4 : i32
    %mul3A_400 = vector.broadcast %mul3A_399 : i32 to vector<16xi32>
    %mul3A_401 = arith.muli %get3A_398, %mul3A_400 : vector<16xi32>
    %get3A_402 = arith.constant 352 : index
    %get3A_403 = tpu.vector_load %arg8[%get3A_402] {strides = array<i32>} : memref<512xi32, #tpu.memory_space<vmem>>, vector<16xi32>,
    %mul3A_404 = arith.constant 2 : i32
    %mul3A_405 = vector.broadcast %mul3A_404 : i32 to vector<16xi32>
    %mul3A_406 = arith.muli %get3A_403, %mul3A_405 : vector<16xi32>
    %add3A_407 = arith.addi %mul3A_401, %mul3A_406 : vector<16xi32>
    %get3A_408 = arith.constant 352 : index
    %get3A_409 = tpu.vector_load %arg9[%get3A_408] {strides = array<i32>} : memref<512xi32, #tpu.memory_space<vmem>>, vector<16xi32>,
    %add3A_410 = arith.addi %add3A_407, %get3A_409 : vector<16xi32>
    %swap3A_411 = arith.constant 2 : i32
    %swap3A_412 = arith.index_cast %swap3A_411 : i32 to index
    %swap3A_413 = arith.constant 96 : index
    %swap3A_414 = tpu.vector_load %arg10[%swap3A_412, %swap3A_413] {strides = array<i32>} : memref<4x128xi32, #tpu.memory_space<vmem>>, vector<16xi32>,
    tpu.vector_store %arg10[%swap3A_412, %swap3A_413], %add3A_410 {strides = array<i32>} : memref<4x128xi32, #tpu.memory_space<vmem>>, vector<16xi32>,
    %get3A_415 = arith.constant 368 : index
    %get3A_416 = tpu.vector_load %arg7[%get3A_415] {strides = array<i32>} : memref<512xi32, #tpu.memory_space<vmem>>, vector<16xi32>,
    %mul3A_417 = arith.constant 4 : i32
    %mul3A_418 = vector.broadcast %mul3A_417 : i32 to vector<16xi32>
    %mul3A_419 = arith.muli %get3A_416, %mul3A_418 : vector<16xi32>
    %get3A_420 = arith.constant 368 : index
    %get3A_421 = tpu.vector_load %arg8[%get3A_420] {strides = array<i32>} : memref<512xi32, #tpu.memory_space<vmem>>, vector<16xi32>,
    %mul3A_422 = arith.constant 2 : i32
    %mul3A_423 = vector.broadcast %mul3A_422 : i32 to vector<16xi32>
    %mul3A_424 = arith.muli %get3A_421, %mul3A_423 : vector<16xi32>
    %add3A_425 = arith.addi %mul3A_419, %mul3A_424 : vector<16xi32>
    %get3A_426 = arith.constant 368 : index
    %get3A_427 = tpu.vector_load %arg9[%get3A_426] {strides = array<i32>} : memref<512xi32, #tpu.memory_space<vmem>>, vector<16xi32>,
    %add3A_428 = arith.addi %add3A_425, %get3A_427 : vector<16xi32>
    %swap3A_429 = arith.constant 2 : i32
    %swap3A_430 = arith.index_cast %swap3A_429 : i32 to index
    %swap3A_431 = arith.constant 112 : index
    %swap3A_432 = tpu.vector_load %arg10[%swap3A_430, %swap3A_431] {strides = array<i32>} : memref<4x128xi32, #tpu.memory_space<vmem>>, vector<16xi32>,
    tpu.vector_store %arg10[%swap3A_430, %swap3A_431], %add3A_428 {strides = array<i32>} : memref<4x128xi32, #tpu.memory_space<vmem>>, vector<16xi32>,
    %get3A_433 = arith.constant 384 : index
    %get3A_434 = tpu.vector_load %arg7[%get3A_433] {strides = array<i32>} : memref<512xi32, #tpu.memory_space<vmem>>, vector<16xi32>,
    %mul3A_435 = arith.constant 4 : i32
    %mul3A_436 = vector.broadcast %mul3A_435 : i32 to vector<16xi32>
    %mul3A_437 = arith.muli %get3A_434, %mul3A_436 : vector<16xi32>
    %get3A_438 = arith.constant 384 : index
    %get3A_439 = tpu.vector_load %arg8[%get3A_438] {strides = array<i32>} : memref<512xi32, #tpu.memory_space<vmem>>, vector<16xi32>,
    %mul3A_440 = arith.constant 2 : i32
    %mul3A_441 = vector.broadcast %mul3A_440 : i32 to vector<16xi32>
    %mul3A_442 = arith.muli %get3A_439, %mul3A_441 : vector<16xi32>
    %add3A_443 = arith.addi %mul3A_437, %mul3A_442 : vector<16xi32>
    %get3A_444 = arith.constant 384 : index
    %get3A_445 = tpu.vector_load %arg9[%get3A_444] {strides = array<i32>} : memref<512xi32, #tpu.memory_space<vmem>>, vector<16xi32>,
    %add3A_446 = arith.addi %add3A_443, %get3A_445 : vector<16xi32>
    %swap3A_447 = arith.constant 3 : i32
    %swap3A_448 = arith.index_cast %swap3A_447 : i32 to index
    %swap3A_449 = arith.constant 0 : index
    %swap3A_450 = tpu.vector_load %arg10[%swap3A_448, %swap3A_449] {strides = array<i32>} : memref<4x128xi32, #tpu.memory_space<vmem>>, vector<16xi32>,
    tpu.vector_store %arg10[%swap3A_448, %swap3A_449], %add3A_446 {strides = array<i32>} : memref<4x128xi32, #tpu.memory_space<vmem>>, vector<16xi32>,
    %get3A_451 = arith.constant 400 : index
    %get3A_452 = tpu.vector_load %arg7[%get3A_451] {strides = array<i32>} : memref<512xi32, #tpu.memory_space<vmem>>, vector<16xi32>,
    %mul3A_453 = arith.constant 4 : i32
    %mul3A_454 = vector.broadcast %mul3A_453 : i32 to vector<16xi32>
    %mul3A_455 = arith.muli %get3A_452, %mul3A_454 : vector<16xi32>
    %get3A_456 = arith.constant 400 : index
    %get3A_457 = tpu.vector_load %arg8[%get3A_456] {strides = array<i32>} : memref<512xi32, #tpu.memory_space<vmem>>, vector<16xi32>,
    %mul3A_458 = arith.constant 2 : i32
    %mul3A_459 = vector.broadcast %mul3A_458 : i32 to vector<16xi32>
    %mul3A_460 = arith.muli %get3A_457, %mul3A_459 : vector<16xi32>
    %add3A_461 = arith.addi %mul3A_455, %mul3A_460 : vector<16xi32>
    %get3A_462 = arith.constant 400 : index
    %get3A_463 = tpu.vector_load %arg9[%get3A_462] {strides = array<i32>} : memref<512xi32, #tpu.memory_space<vmem>>, vector<16xi32>,
    %add3A_464 = arith.addi %add3A_461, %get3A_463 : vector<16xi32>
    %swap3A_465 = arith.constant 3 : i32
    %swap3A_466 = arith.index_cast %swap3A_465 : i32 to index
    %swap3A_467 = arith.constant 16 : index
    %swap3A_468 = tpu.vector_load %arg10[%swap3A_466, %swap3A_467] {strides = array<i32>} : memref<4x128xi32, #tpu.memory_space<vmem>>, vector<16xi32>,
    tpu.vector_store %arg10[%swap3A_466, %swap3A_467], %add3A_464 {strides = array<i32>} : memref<4x128xi32, #tpu.memory_space<vmem>>, vector<16xi32>,
    %get3A_469 = arith.constant 416 : index
    %get3A_470 = tpu.vector_load %arg7[%get3A_469] {strides = array<i32>} : memref<512xi32, #tpu.memory_space<vmem>>, vector<16xi32>,
    %mul3A_471 = arith.constant 4 : i32
    %mul3A_472 = vector.broadcast %mul3A_471 : i32 to vector<16xi32>
    %mul3A_473 = arith.muli %get3A_470, %mul3A_472 : vector<16xi32>
    %get3A_474 = arith.constant 416 : index
    %get3A_475 = tpu.vector_load %arg8[%get3A_474] {strides = array<i32>} : memref<512xi32, #tpu.memory_space<vmem>>, vector<16xi32>,
    %mul3A_476 = arith.constant 2 : i32
    %mul3A_477 = vector.broadcast %mul3A_476 : i32 to vector<16xi32>
    %mul3A_478 = arith.muli %get3A_475, %mul3A_477 : vector<16xi32>
    %add3A_479 = arith.addi %mul3A_473, %mul3A_478 : vector<16xi32>
    %get3A_480 = arith.constant 416 : index
    %get3A_481 = tpu.vector_load %arg9[%get3A_480] {strides = array<i32>} : memref<512xi32, #tpu.memory_space<vmem>>, vector<16xi32>,
    %add3A_482 = arith.addi %add3A_479, %get3A_481 : vector<16xi32>
    %swap3A_483 = arith.constant 3 : i32
    %swap3A_484 = arith.index_cast %swap3A_483 : i32 to index
    %swap3A_485 = arith.constant 32 : index
    %swap3A_486 = tpu.vector_load %arg10[%swap3A_484, %swap3A_485] {strides = array<i32>} : memref<4x128xi32, #tpu.memory_space<vmem>>, vector<16xi32>,
    tpu.vector_store %arg10[%swap3A_484, %swap3A_485], %add3A_482 {strides = array<i32>} : memref<4x128xi32, #tpu.memory_space<vmem>>, vector<16xi32>,
    %get3A_487 = arith.constant 432 : index
    %get3A_488 = tpu.vector_load %arg7[%get3A_487] {strides = array<i32>} : memref<512xi32, #tpu.memory_space<vmem>>, vector<16xi32>,
    %mul3A_489 = arith.constant 4 : i32
    %mul3A_490 = vector.broadcast %mul3A_489 : i32 to vector<16xi32>
    %mul3A_491 = arith.muli %get3A_488, %mul3A_490 : vector<16xi32>
    %get3A_492 = arith.constant 432 : index
    %get3A_493 = tpu.vector_load %arg8[%get3A_492] {strides = array<i32>} : memref<512xi32, #tpu.memory_space<vmem>>, vector<16xi32>,
    %mul3A_494 = arith.constant 2 : i32
    %mul3A_495 = vector.broadcast %mul3A_494 : i32 to vector<16xi32>
    %mul3A_496 = arith.muli %get3A_493, %mul3A_495 : vector<16xi32>
    %add3A_497 = arith.addi %mul3A_491, %mul3A_496 : vector<16xi32>
    %get3A_498 = arith.constant 432 : index
    %get3A_499 = tpu.vector_load %arg9[%get3A_498] {strides = array<i32>} : memref<512xi32, #tpu.memory_space<vmem>>, vector<16xi32>,
    %add3A_500 = arith.addi %add3A_497, %get3A_499 : vector<16xi32>
    %swap3A_501 = arith.constant 3 : i32
    %swap3A_502 = arith.index_cast %swap3A_501 : i32 to index
    %swap3A_503 = arith.constant 48 : index
    %swap3A_504 = tpu.vector_load %arg10[%swap3A_502, %swap3A_503] {strides = array<i32>} : memref<4x128xi32, #tpu.memory_space<vmem>>, vector<16xi32>,
    tpu.vector_store %arg10[%swap3A_502, %swap3A_503], %add3A_500 {strides = array<i32>} : memref<4x128xi32, #tpu.memory_space<vmem>>, vector<16xi32>,
    %get3A_505 = arith.constant 448 : index
    %get3A_506 = tpu.vector_load %arg7[%get3A_505] {strides = array<i32>} : memref<512xi32, #tpu.memory_space<vmem>>, vector<16xi32>,
    %mul3A_507 = arith.constant 4 : i32
    %mul3A_508 = vector.broadcast %mul3A_507 : i32 to vector<16xi32>
    %mul3A_509 = arith.muli %get3A_506, %mul3A_508 : vector<16xi32>
    %get3A_510 = arith.constant 448 : index
    %get3A_511 = tpu.vector_load %arg8[%get3A_510] {strides = array<i32>} : memref<512xi32, #tpu.memory_space<vmem>>, vector<16xi32>,
    %mul3A_512 = arith.constant 2 : i32
    %mul3A_513 = vector.broadcast %mul3A_512 : i32 to vector<16xi32>
    %mul3A_514 = arith.muli %get3A_511, %mul3A_513 : vector<16xi32>
    %add3A_515 = arith.addi %mul3A_509, %mul3A_514 : vector<16xi32>
    %get3A_516 = arith.constant 448 : index
    %get3A_517 = tpu.vector_load %arg9[%get3A_516] {strides = array<i32>} : memref<512xi32, #tpu.memory_space<vmem>>, vector<16xi32>,
    %add3A_518 = arith.addi %add3A_515, %get3A_517 : vector<16xi32>
    %swap3A_519 = arith.constant 3 : i32
    %swap3A_520 = arith.index_cast %swap3A_519 : i32 to index
    %swap3A_521 = arith.constant 64 : index
    %swap3A_522 = tpu.vector_load %arg10[%swap3A_520, %swap3A_521] {strides = array<i32>} : memref<4x128xi32, #tpu.memory_space<vmem>>, vector<16xi32>,
    tpu.vector_store %arg10[%swap3A_520, %swap3A_521], %add3A_518 {strides = array<i32>} : memref<4x128xi32, #tpu.memory_space<vmem>>, vector<16xi32>,
    %get3A_523 = arith.constant 464 : index
    %get3A_524 = tpu.vector_load %arg7[%get3A_523] {strides = array<i32>} : memref<512xi32, #tpu.memory_space<vmem>>, vector<16xi32>,
    %mul3A_525 = arith.constant 4 : i32
    %mul3A_526 = vector.broadcast %mul3A_525 : i32 to vector<16xi32>
    %mul3A_527 = arith.muli %get3A_524, %mul3A_526 : vector<16xi32>
    %get3A_528 = arith.constant 464 : index
    %get3A_529 = tpu.vector_load %arg8[%get3A_528] {strides = array<i32>} : memref<512xi32, #tpu.memory_space<vmem>>, vector<16xi32>,
    %mul3A_530 = arith.constant 2 : i32
    %mul3A_531 = vector.broadcast %mul3A_530 : i32 to vector<16xi32>
    %mul3A_532 = arith.muli %get3A_529, %mul3A_531 : vector<16xi32>
    %add3A_533 = arith.addi %mul3A_527, %mul3A_532 : vector<16xi32>
    %get3A_534 = arith.constant 464 : index
    %get3A_535 = tpu.vector_load %arg9[%get3A_534] {strides = array<i32>} : memref<512xi32, #tpu.memory_space<vmem>>, vector<16xi32>,
    %add3A_536 = arith.addi %add3A_533, %get3A_535 : vector<16xi32>
    %swap3A_537 = arith.constant 3 : i32
    %swap3A_538 = arith.index_cast %swap3A_537 : i32 to index
    %swap3A_539 = arith.constant 80 : index
    %swap3A_540 = tpu.vector_load %arg10[%swap3A_538, %swap3A_539] {strides = array<i32>} : memref<4x128xi32, #tpu.memory_space<vmem>>, vector<16xi32>,
    tpu.vector_store %arg10[%swap3A_538, %swap3A_539], %add3A_536 {strides = array<i32>} : memref<4x128xi32, #tpu.memory_space<vmem>>, vector<16xi32>,
    %get3A_541 = arith.constant 480 : index
    %get3A_542 = tpu.vector_load %arg7[%get3A_541] {strides = array<i32>} : memref<512xi32, #tpu.memory_space<vmem>>, vector<16xi32>,
    %mul3A_543 = arith.constant 4 : i32
    %mul3A_544 = vector.broadcast %mul3A_543 : i32 to vector<16xi32>
    %mul3A_545 = arith.muli %get3A_542, %mul3A_544 : vector<16xi32>
    %get3A_546 = arith.constant 480 : index
    %get3A_547 = tpu.vector_load %arg8[%get3A_546] {strides = array<i32>} : memref<512xi32, #tpu.memory_space<vmem>>, vector<16xi32>,
    %mul3A_548 = arith.constant 2 : i32
    %mul3A_549 = vector.broadcast %mul3A_548 : i32 to vector<16xi32>
    %mul3A_550 = arith.muli %get3A_547, %mul3A_549 : vector<16xi32>
    %add3A_551 = arith.addi %mul3A_545, %mul3A_550 : vector<16xi32>
    %get3A_552 = arith.constant 480 : index
    %get3A_553 = tpu.vector_load %arg9[%get3A_552] {strides = array<i32>} : memref<512xi32, #tpu.memory_space<vmem>>, vector<16xi32>,
    %add3A_554 = arith.addi %add3A_551, %get3A_553 : vector<16xi32>
    %swap3A_555 = arith.constant 3 : i32
    %swap3A_556 = arith.index_cast %swap3A_555 : i32 to index
    %swap3A_557 = arith.constant 96 : index
    %swap3A_558 = tpu.vector_load %arg10[%swap3A_556, %swap3A_557] {strides = array<i32>} : memref<4x128xi32, #tpu.memory_space<vmem>>, vector<16xi32>,
    tpu.vector_store %arg10[%swap3A_556, %swap3A_557], %add3A_554 {strides = array<i32>} : memref<4x128xi32, #tpu.memory_space<vmem>>, vector<16xi32>,
    %get3A_559 = arith.constant 496 : index
    %get3A_560 = tpu.vector_load %arg7[%get3A_559] {strides = array<i32>} : memref<512xi32, #tpu.memory_space<vmem>>, vector<16xi32>,
    %mul3A_561 = arith.constant 4 : i32
    %mul3A_562 = vector.broadcast %mul3A_561 : i32 to vector<16xi32>
    %mul3A_563 = arith.muli %get3A_560, %mul3A_562 : vector<16xi32>
    %get3A_564 = arith.constant 496 : index
    %get3A_565 = tpu.vector_load %arg8[%get3A_564] {strides = array<i32>} : memref<512xi32, #tpu.memory_space<vmem>>, vector<16xi32>,
    %mul3A_566 = arith.constant 2 : i32
    %mul3A_567 = vector.broadcast %mul3A_566 : i32 to vector<16xi32>
    %mul3A_568 = arith.muli %get3A_565, %mul3A_567 : vector<16xi32>
    %add3A_569 = arith.addi %mul3A_563, %mul3A_568 : vector<16xi32>
    %get3A_570 = arith.constant 496 : index
    %get3A_571 = tpu.vector_load %arg9[%get3A_570] {strides = array<i32>} : memref<512xi32, #tpu.memory_space<vmem>>, vector<16xi32>,
    %add3A_572 = arith.addi %add3A_569, %get3A_571 : vector<16xi32>
    %swap3A_573 = arith.constant 3 : i32
    %swap3A_574 = arith.index_cast %swap3A_573 : i32 to index
    %swap3A_575 = arith.constant 112 : index
    %swap3A_576 = tpu.vector_load %arg10[%swap3A_574, %swap3A_575] {strides = array<i32>} : memref<4x128xi32, #tpu.memory_space<vmem>>, vector<16xi32>,
    tpu.vector_store %arg10[%swap3A_574, %swap3A_575], %add3A_572 {strides = array<i32>} : memref<4x128xi32, #tpu.memory_space<vmem>>, vector<16xi32>,
    %dma_start3A = arith.constant 0 : i32
    %dma_start3A_577 = arith.constant 0 : i32
    %dma_start3A_578 = arith.constant 0 : i32
    %dma_start3A_579 = tpu.memref_slice %arg11[%dma_start3A_577, %dma_start3A_578] : memref<512x128xf32, #tpu.memory_space<vmem>> -> memref<128x128xf32, #tpu.memory_space<vmem>>
    %dma_start3A_580 = arith.constant 0 : i32
    %dma_start3A_581 = tpu.memref_slice %arg10[%dma_start3A, %dma_start3A_580] : memref<4x128xi32, #tpu.memory_space<vmem>> -> memref<1x128xi32, #tpu.memory_space<vmem>>
    %dma_start3A_582 = tpu.memref_squeeze %dma_start3A_581 : memref<1x128xi32, #tpu.memory_space<vmem>> -> memref<128xi32, #tpu.memory_space<vmem>>
    %dma_start3A_583 = arith.constant 0 : i32
    %dma_start3A_584 = arith.constant 0 : i32
    %dma_start3A_585 = tpu.memref_slice %arg5[%dma_start3A_583, %dma_start3A_584] : memref<20x128xf32, #tpu.memory_space<hbm>> -> memref<20x128xf32, #tpu.memory_space<hbm>>
    tpu.enqueue_indirect_dma source(%dma_start3A_585 : memref<20x128xf32, #tpu.memory_space<hbm>>) target(%dma_start3A_579 : memref<128x128xf32, #tpu.memory_space<vmem>>) offsets(%dma_start3A_582 : memref<128xi32, #tpu.memory_space<vmem>>) semaphore(%arg12 : memref<!tpu.dma_semaphore, #tpu.memory_space<semaphore_mem>>)
    %dma_wait3A = arith.constant 0 : i32
    %dma_wait3A_586 = arith.constant 0 : i32
    %dma_wait3A_587 = arith.constant 0 : i32
    %dma_wait3A_588 = tpu.memref_slice %arg11[%dma_wait3A_586, %dma_wait3A_587] : memref<512x128xf32, #tpu.memory_space<vmem>> -> memref<128x128xf32, #tpu.memory_space<vmem>>
    %dma_wait3A_589 = arith.constant 0 : i32
    %dma_wait3A_590 = tpu.memref_slice %arg10[%dma_wait3A, %dma_wait3A_589] : memref<4x128xi32, #tpu.memory_space<vmem>> -> memref<1x128xi32, #tpu.memory_space<vmem>>
    %dma_wait3A_591 = tpu.memref_squeeze %dma_wait3A_590 : memref<1x128xi32, #tpu.memory_space<vmem>> -> memref<128xi32, #tpu.memory_space<vmem>>
    %dma_wait3A_592 = arith.constant 0 : i32
    %dma_wait3A_593 = arith.constant 0 : i32
    %dma_wait3A_594 = tpu.memref_slice %arg5[%dma_wait3A_592, %dma_wait3A_593] : memref<20x128xf32, #tpu.memory_space<hbm>> -> memref<20x128xf32, #tpu.memory_space<hbm>>
    tpu.wait_indirect_dma semaphore(%arg12 : memref<!tpu.dma_semaphore, #tpu.memory_space<semaphore_mem>>) src(%dma_wait3A_594 : memref<20x128xf32, #tpu.memory_space<hbm>>) dst(%dma_wait3A_588 : memref<128x128xf32, #tpu.memory_space<vmem>>)
    %dma_start3A_595 = arith.constant 1 : i32
    %dma_start3A_596 = arith.constant 128 : i32
    %dma_start3A_597 = arith.constant 0 : i32
    %dma_start3A_598 = tpu.memref_slice %arg11[%dma_start3A_596, %dma_start3A_597] : memref<512x128xf32, #tpu.memory_space<vmem>> -> memref<128x128xf32, #tpu.memory_space<vmem>>
    %dma_start3A_599 = arith.constant 0 : i32
    %dma_start3A_600 = tpu.memref_slice %arg10[%dma_start3A_595, %dma_start3A_599] : memref<4x128xi32, #tpu.memory_space<vmem>> -> memref<1x128xi32, #tpu.memory_space<vmem>>
    %dma_start3A_601 = tpu.memref_squeeze %dma_start3A_600 : memref<1x128xi32, #tpu.memory_space<vmem>> -> memref<128xi32, #tpu.memory_space<vmem>>
    %dma_start3A_602 = arith.constant 0 : i32
    %dma_start3A_603 = arith.constant 0 : i32
    %dma_start3A_604 = tpu.memref_slice %arg5[%dma_start3A_602, %dma_start3A_603] : memref<20x128xf32, #tpu.memory_space<hbm>> -> memref<20x128xf32, #tpu.memory_space<hbm>>
    tpu.enqueue_indirect_dma source(%dma_start3A_604 : memref<20x128xf32, #tpu.memory_space<hbm>>) target(%dma_start3A_598 : memref<128x128xf32, #tpu.memory_space<vmem>>) offsets(%dma_start3A_601 : memref<128xi32, #tpu.memory_space<vmem>>) semaphore(%arg12 : memref<!tpu.dma_semaphore, #tpu.memory_space<semaphore_mem>>)
    %dma_wait3A_605 = arith.constant 1 : i32
    %dma_wait3A_606 = arith.constant 128 : i32
    %dma_wait3A_607 = arith.constant 0 : i32
    %dma_wait3A_608 = tpu.memref_slice %arg11[%dma_wait3A_606, %dma_wait3A_607] : memref<512x128xf32, #tpu.memory_space<vmem>> -> memref<128x128xf32, #tpu.memory_space<vmem>>
    %dma_wait3A_609 = arith.constant 0 : i32
    %dma_wait3A_610 = tpu.memref_slice %arg10[%dma_wait3A_605, %dma_wait3A_609] : memref<4x128xi32, #tpu.memory_space<vmem>> -> memref<1x128xi32, #tpu.memory_space<vmem>>
    %dma_wait3A_611 = tpu.memref_squeeze %dma_wait3A_610 : memref<1x128xi32, #tpu.memory_space<vmem>> -> memref<128xi32, #tpu.memory_space<vmem>>
    %dma_wait3A_612 = arith.constant 0 : i32
    %dma_wait3A_613 = arith.constant 0 : i32
    %dma_wait3A_614 = tpu.memref_slice %arg5[%dma_wait3A_612, %dma_wait3A_613] : memref<20x128xf32, #tpu.memory_space<hbm>> -> memref<20x128xf32, #tpu.memory_space<hbm>>
    tpu.wait_indirect_dma semaphore(%arg12 : memref<!tpu.dma_semaphore, #tpu.memory_space<semaphore_mem>>) src(%dma_wait3A_614 : memref<20x128xf32, #tpu.memory_space<hbm>>) dst(%dma_wait3A_608 : memref<128x128xf32, #tpu.memory_space<vmem>>)
    %dma_start3A_615 = arith.constant 2 : i32
    %dma_start3A_616 = arith.constant 256 : i32
    %dma_start3A_617 = arith.constant 0 : i32
    %dma_start3A_618 = tpu.memref_slice %arg11[%dma_start3A_616, %dma_start3A_617] : memref<512x128xf32, #tpu.memory_space<vmem>> -> memref<128x128xf32, #tpu.memory_space<vmem>>
    %dma_start3A_619 = arith.constant 0 : i32
    %dma_start3A_620 = tpu.memref_slice %arg10[%dma_start3A_615, %dma_start3A_619] : memref<4x128xi32, #tpu.memory_space<vmem>> -> memref<1x128xi32, #tpu.memory_space<vmem>>
    %dma_start3A_621 = tpu.memref_squeeze %dma_start3A_620 : memref<1x128xi32, #tpu.memory_space<vmem>> -> memref<128xi32, #tpu.memory_space<vmem>>
    %dma_start3A_622 = arith.constant 0 : i32
    %dma_start3A_623 = arith.constant 0 : i32
    %dma_start3A_624 = tpu.memref_slice %arg5[%dma_start3A_622, %dma_start3A_623] : memref<20x128xf32, #tpu.memory_space<hbm>> -> memref<20x128xf32, #tpu.memory_space<hbm>>
    tpu.enqueue_indirect_dma source(%dma_start3A_624 : memref<20x128xf32, #tpu.memory_space<hbm>>) target(%dma_start3A_618 : memref<128x128xf32, #tpu.memory_space<vmem>>) offsets(%dma_start3A_621 : memref<128xi32, #tpu.memory_space<vmem>>) semaphore(%arg12 : memref<!tpu.dma_semaphore, #tpu.memory_space<semaphore_mem>>)
    %dma_wait3A_625 = arith.constant 2 : i32
    %dma_wait3A_626 = arith.constant 256 : i32
    %dma_wait3A_627 = arith.constant 0 : i32
    %dma_wait3A_628 = tpu.memref_slice %arg11[%dma_wait3A_626, %dma_wait3A_627] : memref<512x128xf32, #tpu.memory_space<vmem>> -> memref<128x128xf32, #tpu.memory_space<vmem>>
    %dma_wait3A_629 = arith.constant 0 : i32
    %dma_wait3A_630 = tpu.memref_slice %arg10[%dma_wait3A_625, %dma_wait3A_629] : memref<4x128xi32, #tpu.memory_space<vmem>> -> memref<1x128xi32, #tpu.memory_space<vmem>>
    %dma_wait3A_631 = tpu.memref_squeeze %dma_wait3A_630 : memref<1x128xi32, #tpu.memory_space<vmem>> -> memref<128xi32, #tpu.memory_space<vmem>>
    %dma_wait3A_632 = arith.constant 0 : i32
    %dma_wait3A_633 = arith.constant 0 : i32
    %dma_wait3A_634 = tpu.memref_slice %arg5[%dma_wait3A_632, %dma_wait3A_633] : memref<20x128xf32, #tpu.memory_space<hbm>> -> memref<20x128xf32, #tpu.memory_space<hbm>>
    tpu.wait_indirect_dma semaphore(%arg12 : memref<!tpu.dma_semaphore, #tpu.memory_space<semaphore_mem>>) src(%dma_wait3A_634 : memref<20x128xf32, #tpu.memory_space<hbm>>) dst(%dma_wait3A_628 : memref<128x128xf32, #tpu.memory_space<vmem>>)
    %dma_start3A_635 = arith.constant 3 : i32
    %dma_start3A_636 = arith.constant 384 : i32
    %dma_start3A_637 = arith.constant 0 : i32
    %dma_start3A_638 = tpu.memref_slice %arg11[%dma_start3A_636, %dma_start3A_637] : memref<512x128xf32, #tpu.memory_space<vmem>> -> memref<128x128xf32, #tpu.memory_space<vmem>>
    %dma_start3A_639 = arith.constant 0 : i32
    %dma_start3A_640 = tpu.memref_slice %arg10[%dma_start3A_635, %dma_start3A_639] : memref<4x128xi32, #tpu.memory_space<vmem>> -> memref<1x128xi32, #tpu.memory_space<vmem>>
    %dma_start3A_641 = tpu.memref_squeeze %dma_start3A_640 : memref<1x128xi32, #tpu.memory_space<vmem>> -> memref<128xi32, #tpu.memory_space<vmem>>
    %dma_start3A_642 = arith.constant 0 : i32
    %dma_start3A_643 = arith.constant 0 : i32
    %dma_start3A_644 = tpu.memref_slice %arg5[%dma_start3A_642, %dma_start3A_643] : memref<20x128xf32, #tpu.memory_space<hbm>> -> memref<20x128xf32, #tpu.memory_space<hbm>>
    tpu.enqueue_indirect_dma source(%dma_start3A_644 : memref<20x128xf32, #tpu.memory_space<hbm>>) target(%dma_start3A_638 : memref<128x128xf32, #tpu.memory_space<vmem>>) offsets(%dma_start3A_641 : memref<128xi32, #tpu.memory_space<vmem>>) semaphore(%arg12 : memref<!tpu.dma_semaphore, #tpu.memory_space<semaphore_mem>>)
    %dma_wait3A_645 = arith.constant 3 : i32
    %dma_wait3A_646 = arith.constant 384 : i32
    %dma_wait3A_647 = arith.constant 0 : i32
    %dma_wait3A_648 = tpu.memref_slice %arg11[%dma_wait3A_646, %dma_wait3A_647] : memref<512x128xf32, #tpu.memory_space<vmem>> -> memref<128x128xf32, #tpu.memory_space<vmem>>
    %dma_wait3A_649 = arith.constant 0 : i32
    %dma_wait3A_650 = tpu.memref_slice %arg10[%dma_wait3A_645, %dma_wait3A_649] : memref<4x128xi32, #tpu.memory_space<vmem>> -> memref<1x128xi32, #tpu.memory_space<vmem>>
    %dma_wait3A_651 = tpu.memref_squeeze %dma_wait3A_650 : memref<1x128xi32, #tpu.memory_space<vmem>> -> memref<128xi32, #tpu.memory_space<vmem>>
    %dma_wait3A_652 = arith.constant 0 : i32
    %dma_wait3A_653 = arith.constant 0 : i32
    %dma_wait3A_654 = tpu.memref_slice %arg5[%dma_wait3A_652, %dma_wait3A_653] : memref<20x128xf32, #tpu.memory_space<hbm>> -> memref<20x128xf32, #tpu.memory_space<hbm>>
    tpu.wait_indirect_dma semaphore(%arg12 : memref<!tpu.dma_semaphore, #tpu.memory_space<semaphore_mem>>) src(%dma_wait3A_654 : memref<20x128xf32, #tpu.memory_space<hbm>>) dst(%dma_wait3A_648 : memref<128x128xf32, #tpu.memory_space<vmem>>)
    "tpu.region"() ({
      %run_scoped3A = tpu.sem_alloc : memref<!tpu.dma_semaphore, #tpu.memory_space<semaphore_mem>>
      %dma_start3A_655 = arith.constant 0 : i32
      %dma_start3A_656 = tpu.memref_slice %arg6[%mul3A_2, %dma_start3A_655] : memref<16384x128xf32, #tpu.memory_space<hbm>> -> memref<512x128xf32, #tpu.memory_space<hbm>>
      %dma_start3A_657 = arith.constant 0 : i32
      %dma_start3A_658 = tpu.memref_slice %arg6[%mul3A_2, %dma_start3A_657] : memref<16384x128xf32, #tpu.memory_space<hbm>> -> memref<512x128xf32, #tpu.memory_space<hbm>>
      tpu.enqueue_dma source(%arg11 : memref<512x128xf32, #tpu.memory_space<vmem>>) target(%dma_start3A_658 : memref<512x128xf32, #tpu.memory_space<hbm>>) target_semaphore(%run_scoped3A : memref<!tpu.dma_semaphore, #tpu.memory_space<semaphore_mem>>)
      %dma_wait3A_659 = arith.constant 0 : i32
      %dma_wait3A_660 = tpu.memref_slice %arg6[%mul3A_2, %dma_wait3A_659] : memref<16384x128xf32, #tpu.memory_space<hbm>> -> memref<512x128xf32, #tpu.memory_space<hbm>>
      %dma_wait3A_661 = arith.constant 0 : i32
      %dma_wait3A_662 = tpu.memref_slice %arg6[%mul3A_2, %dma_wait3A_661] : memref<16384x128xf32, #tpu.memory_space<hbm>> -> memref<512x128xf32, #tpu.memory_space<hbm>>
      tpu.wait_dma2 semaphore(%run_scoped3A : memref<!tpu.dma_semaphore, #tpu.memory_space<semaphore_mem>>) src(%arg11 : memref<512x128xf32, #tpu.memory_space<vmem>>) dst(%dma_wait3A_662 : memref<512x128xf32, #tpu.memory_space<hbm>>)
      tpu.yield
    }) : () -> ()
    return
  }
}

module attributes {stable_mosaic.version = 14 : i64} {
  func.func @_build_body(%arg0: memref<5x16xf32, #tpu.memory_space<vmem>>, %arg1: memref<2x8xf32, #tpu.memory_space<vmem>>, %arg2: memref<2x8xf32, #tpu.memory_space<vmem>>, %arg3: memref<20x128xf32, #tpu.memory_space<vmem>>) attributes {dimension_semantics = [], scalar_prefetch = 0 : i64, scratch_operands = 0 : i64, tpu.core_type = #tpu.core_type<tc>} {
    %iota3A = tpu.iota {dimensions = array<i32: 0>} : vector<20x5xi32>
    %iota3A_0 = tpu.iota {dimensions = array<i32: 1>} : vector<20x5xi32>
    %jit3A = arith.constant 4 : i32
    %div3A = vector.broadcast %jit3A : i32 to vector<20x5xi32>
    %div3A_1 = arith.divsi %iota3A, %div3A : vector<20x5xi32>
    %sign3A = arith.constant 0 : i32
    %sign3A_2 = vector.broadcast %sign3A : i32 to vector<20x5xi32>
    %sign3A_3 = arith.cmpi sgt, %iota3A, %sign3A_2 : vector<20x5xi32>
    %sign3A_4 = arith.extui %sign3A_3 : vector<20x5xi1> to vector<20x5xi32>
    %sign3A_5 = arith.constant 0 : i32
    %sign3A_6 = vector.broadcast %sign3A_5 : i32 to vector<20x5xi32>
    %sign3A_7 = arith.cmpi slt, %iota3A, %sign3A_6 : vector<20x5xi32>
    %sign3A_8 = arith.extui %sign3A_7 : vector<20x5xi1> to vector<20x5xi32>
    %sign3A_9 = arith.subi %sign3A_4, %sign3A_8 : vector<20x5xi32>
    %sign3A_10 = arith.constant 0 : i32
    %sign3A_11 = arith.cmpi sgt, %jit3A, %sign3A_10 : i32
    %sign3A_12 = arith.extui %sign3A_11 : i1 to i32
    %sign3A_13 = arith.constant 0 : i32
    %sign3A_14 = arith.cmpi slt, %jit3A, %sign3A_13 : i32
    %sign3A_15 = arith.extui %sign3A_14 : i1 to i32
    %sign3A_16 = arith.subi %sign3A_12, %sign3A_15 : i32
    %ne3A = vector.broadcast %sign3A_16 : i32 to vector<20x5xi32>
    %ne3A_17 = arith.cmpi ne, %sign3A_9, %ne3A : vector<20x5xi32>
    %rem3A = vector.broadcast %jit3A : i32 to vector<20x5xi32>
    %rem3A_18 = arith.remsi %iota3A, %rem3A : vector<20x5xi32>
    %ne3A_19 = arith.constant 0 : i32
    %ne3A_20 = vector.broadcast %ne3A_19 : i32 to vector<20x5xi32>
    %ne3A_21 = arith.cmpi ne, %rem3A_18, %ne3A_20 : vector<20x5xi32>
    %and3A = arith.andi %ne3A_17, %ne3A_21 : vector<20x5xi1>
    %sub3A = arith.constant 1 : i32
    %sub3A_22 = vector.broadcast %sub3A : i32 to vector<20x5xi32>
    %sub3A_23 = arith.subi %div3A_1, %sub3A_22 : vector<20x5xi32>
    %select_n3A = arith.select %and3A, %sub3A_23, %div3A_1 : vector<20x5xi1>, vector<20x5xi32>
    %eq3A = arith.cmpi eq, %select_n3A, %iota3A_0 : vector<20x5xi32>
    %convert_element_type3A = arith.extui %eq3A : vector<20x5xi1> to vector<20x5xi32>
    %convert_element_type3A_24 = arith.sitofp %convert_element_type3A : vector<20x5xi32> to vector<20x5xf32>
    %iota3A_25 = tpu.iota {dimensions = array<i32: 0>} : vector<20x2xi32>
    %iota3A_26 = tpu.iota {dimensions = array<i32: 1>} : vector<20x2xi32>
    %jit3A_27 = arith.constant 2 : i32
    %div3A_28 = vector.broadcast %jit3A_27 : i32 to vector<20x2xi32>
    %div3A_29 = arith.divsi %iota3A_25, %div3A_28 : vector<20x2xi32>
    %sign3A_30 = arith.constant 0 : i32
    %sign3A_31 = vector.broadcast %sign3A_30 : i32 to vector<20x2xi32>
    %sign3A_32 = arith.cmpi sgt, %iota3A_25, %sign3A_31 : vector<20x2xi32>
    %sign3A_33 = arith.extui %sign3A_32 : vector<20x2xi1> to vector<20x2xi32>
    %sign3A_34 = arith.constant 0 : i32
    %sign3A_35 = vector.broadcast %sign3A_34 : i32 to vector<20x2xi32>
    %sign3A_36 = arith.cmpi slt, %iota3A_25, %sign3A_35 : vector<20x2xi32>
    %sign3A_37 = arith.extui %sign3A_36 : vector<20x2xi1> to vector<20x2xi32>
    %sign3A_38 = arith.subi %sign3A_33, %sign3A_37 : vector<20x2xi32>
    %sign3A_39 = arith.constant 0 : i32
    %sign3A_40 = arith.cmpi sgt, %jit3A_27, %sign3A_39 : i32
    %sign3A_41 = arith.extui %sign3A_40 : i1 to i32
    %sign3A_42 = arith.constant 0 : i32
    %sign3A_43 = arith.cmpi slt, %jit3A_27, %sign3A_42 : i32
    %sign3A_44 = arith.extui %sign3A_43 : i1 to i32
    %sign3A_45 = arith.subi %sign3A_41, %sign3A_44 : i32
    %ne3A_46 = vector.broadcast %sign3A_45 : i32 to vector<20x2xi32>
    %ne3A_47 = arith.cmpi ne, %sign3A_38, %ne3A_46 : vector<20x2xi32>
    %rem3A_48 = vector.broadcast %jit3A_27 : i32 to vector<20x2xi32>
    %rem3A_49 = arith.remsi %iota3A_25, %rem3A_48 : vector<20x2xi32>
    %ne3A_50 = arith.constant 0 : i32
    %ne3A_51 = vector.broadcast %ne3A_50 : i32 to vector<20x2xi32>
    %ne3A_52 = arith.cmpi ne, %rem3A_49, %ne3A_51 : vector<20x2xi32>
    %and3A_53 = arith.andi %ne3A_47, %ne3A_52 : vector<20x2xi1>
    %sub3A_54 = arith.constant 1 : i32
    %sub3A_55 = vector.broadcast %sub3A_54 : i32 to vector<20x2xi32>
    %sub3A_56 = arith.subi %div3A_29, %sub3A_55 : vector<20x2xi32>
    %select_n3A_57 = arith.select %and3A_53, %sub3A_56, %div3A_29 : vector<20x2xi1>, vector<20x2xi32>
    %jit3A_58 = arith.constant 2 : i32
    %eq3A_59 = arith.constant 0 : i32
    %eq3A_60 = arith.cmpi eq, %jit3A_58, %eq3A_59 : i32
    %jit3A_61 = arith.constant 1 : i32
    %select_n3A_62 = arith.select %eq3A_60, %jit3A_61, %jit3A_58 : i32
    %rem3A_63 = vector.broadcast %select_n3A_62 : i32 to vector<20x2xi32>
    %rem3A_64 = arith.remsi %select_n3A_57, %rem3A_63 : vector<20x2xi32>
    %ne3A_65 = arith.constant 0 : i32
    %ne3A_66 = vector.broadcast %ne3A_65 : i32 to vector<20x2xi32>
    %ne3A_67 = arith.cmpi ne, %rem3A_64, %ne3A_66 : vector<20x2xi32>
    %lt3A = arith.constant 0 : i32
    %lt3A_68 = vector.broadcast %lt3A : i32 to vector<20x2xi32>
    %lt3A_69 = arith.cmpi slt, %rem3A_64, %lt3A_68 : vector<20x2xi32>
    %lt3A_70 = arith.constant 0 : i32
    %lt3A_71 = arith.cmpi slt, %select_n3A_62, %lt3A_70 : i32
    %ne3A_72 = vector.broadcast %lt3A_71 : i1 to vector<20x2xi1>
    %ne3A_73 = vector.broadcast %ne3A_72 : vector<20x2xi1> to vector<20x2xi1>
    %ne3A_74 = arith.xori %lt3A_69, %ne3A_73 : vector<20x2xi1>
    %and3A_75 = arith.andi %ne3A_74, %ne3A_67 : vector<20x2xi1>
    %add3A = vector.broadcast %select_n3A_62 : i32 to vector<20x2xi32>
    %add3A_76 = arith.addi %rem3A_64, %add3A : vector<20x2xi32>
    %select_n3A_77 = arith.select %and3A_75, %add3A_76, %rem3A_64 : vector<20x2xi1>, vector<20x2xi32>
    %eq3A_78 = arith.cmpi eq, %select_n3A_77, %iota3A_26 : vector<20x2xi32>
    %convert_element_type3A_79 = arith.extui %eq3A_78 : vector<20x2xi1> to vector<20x2xi32>
    %convert_element_type3A_80 = arith.sitofp %convert_element_type3A_79 : vector<20x2xi32> to vector<20x2xf32>
    %jit3A_81 = arith.constant 2 : i32
    %eq3A_82 = arith.constant 0 : i32
    %eq3A_83 = arith.cmpi eq, %jit3A_81, %eq3A_82 : i32
    %jit3A_84 = arith.constant 1 : i32
    %select_n3A_85 = arith.select %eq3A_83, %jit3A_84, %jit3A_81 : i32
    %rem3A_86 = vector.broadcast %select_n3A_85 : i32 to vector<20x2xi32>
    %rem3A_87 = arith.remsi %iota3A_25, %rem3A_86 : vector<20x2xi32>
    %ne3A_88 = arith.constant 0 : i32
    %ne3A_89 = vector.broadcast %ne3A_88 : i32 to vector<20x2xi32>
    %ne3A_90 = arith.cmpi ne, %rem3A_87, %ne3A_89 : vector<20x2xi32>
    %lt3A_91 = arith.constant 0 : i32
    %lt3A_92 = vector.broadcast %lt3A_91 : i32 to vector<20x2xi32>
    %lt3A_93 = arith.cmpi slt, %rem3A_87, %lt3A_92 : vector<20x2xi32>
    %lt3A_94 = arith.constant 0 : i32
    %lt3A_95 = arith.cmpi slt, %select_n3A_85, %lt3A_94 : i32
    %ne3A_96 = vector.broadcast %lt3A_95 : i1 to vector<20x2xi1>
    %ne3A_97 = vector.broadcast %ne3A_96 : vector<20x2xi1> to vector<20x2xi1>
    %ne3A_98 = arith.xori %lt3A_93, %ne3A_97 : vector<20x2xi1>
    %and3A_99 = arith.andi %ne3A_98, %ne3A_90 : vector<20x2xi1>
    %add3A_100 = vector.broadcast %select_n3A_85 : i32 to vector<20x2xi32>
    %add3A_101 = arith.addi %rem3A_87, %add3A_100 : vector<20x2xi32>
    %select_n3A_102 = arith.select %and3A_99, %add3A_101, %rem3A_87 : vector<20x2xi1>, vector<20x2xi32>
    %eq3A_103 = arith.cmpi eq, %select_n3A_102, %iota3A_26 : vector<20x2xi32>
    %convert_element_type3A_104 = arith.extui %eq3A_103 : vector<20x2xi1> to vector<20x2xi32>
    %convert_element_type3A_105 = arith.sitofp %convert_element_type3A_104 : vector<20x2xi32> to vector<20x2xf32>
    %get3A = arith.constant 0 : index
    %get3A_106 = arith.constant 0 : index
    %get3A_107 = vector.load %arg0[%get3A, %get3A_106] : memref<5x16xf32, #tpu.memory_space<vmem>>, vector<5x16xf32>
    %dot_general3A = arith.constant dense<0.000000e+00> : vector<20x16xf32>
    %dot_general3A_108 = tpu.matmul %convert_element_type3A_24, %get3A_107, %dot_general3A {dimension_numbers = #tpu.dot_dimension_numbers<[1], [0], [0], [1], [0, 0, 1, 1], [], []>, transpose_lhs_hint = false} : vector<20x5xf32>, vector<5x16xf32>, vector<20x16xf32> -> vector<20x16xf32>
    %get3A_109 = arith.constant 0 : index
    %get3A_110 = arith.constant 0 : index
    %get3A_111 = vector.load %arg1[%get3A_109, %get3A_110] : memref<2x8xf32, #tpu.memory_space<vmem>>, vector<2x8xf32>
    %dot_general3A_112 = arith.constant dense<0.000000e+00> : vector<20x8xf32>
    %dot_general3A_113 = tpu.matmul %convert_element_type3A_80, %get3A_111, %dot_general3A_112 {dimension_numbers = #tpu.dot_dimension_numbers<[1], [0], [0], [1], [0, 0, 1, 1], [], []>, transpose_lhs_hint = false} : vector<20x2xf32>, vector<2x8xf32>, vector<20x8xf32> -> vector<20x8xf32>
    %get3A_114 = arith.constant 0 : index
    %get3A_115 = arith.constant 0 : index
    %get3A_116 = vector.load %arg2[%get3A_114, %get3A_115] : memref<2x8xf32, #tpu.memory_space<vmem>>, vector<2x8xf32>
    %dot_general3A_117 = arith.constant dense<0.000000e+00> : vector<20x8xf32>
    %dot_general3A_118 = tpu.matmul %convert_element_type3A_105, %get3A_116, %dot_general3A_117 {dimension_numbers = #tpu.dot_dimension_numbers<[1], [0], [0], [1], [0, 0, 1, 1], [], []>, transpose_lhs_hint = false} : vector<20x2xf32>, vector<2x8xf32>, vector<20x8xf32> -> vector<20x8xf32>
    %broadcast_in_dim3A = arith.constant 0.000000e+00 : f32
    %broadcast_in_dim3A_119 = vector.broadcast %broadcast_in_dim3A : f32 to vector<20x96xf32>
    %concatenate3A = tpu.concatenate %dot_general3A_108, %dot_general3A_113, %dot_general3A_118, %broadcast_in_dim3A_119 in 1 : vector<20x16xf32>, vector<20x8xf32>, vector<20x8xf32>, vector<20x96xf32> -> vector<20x128xf32>
    %swap3A = arith.constant 0 : index
    %swap3A_120 = arith.constant 0 : index
    %swap3A_121 = vector.load %arg3[%swap3A, %swap3A_120] : memref<20x128xf32, #tpu.memory_space<vmem>>, vector<20x128xf32>
    tpu.vector_store %arg3[%swap3A, %swap3A_120], %concatenate3A {strides = array<i32>} : memref<20x128xf32, #tpu.memory_space<vmem>>, vector<20x128xf32>,
    return
  }
}

</mosaic_0001>

<sc_bundles>
// kernel: _run.4.cloned.1.call-start
scs
__scs_entry_jumppad:
0x0: {  	(pc) =	sbr.rel $0x88, $3  }
0x1: {  	(tag) =	ssettag $0x0;
	lr =	simm.s32 $0x1  }
0x2: {  	[smem:$0x3F9B] =	sst lr;
	_ =	strace $0xD0000000  }
0x3: {  	_ = 	snop  }
0x4: {  	_ = 	snop  }
0x5: {  	_ = 	snop  }
0x6: {  	_ = 	snop  }
0x7: {  	_ = 	snop  }
__scs_overlays_trampoline_lowered:
0x8: {  	[smem:$0x3FAA] =	sst s0  }
0x9: {  	[smem:$0x3FAB] =	sst s1  }
0xa: {  	[smem:$0x3FAC] =	sst s2  }
0xb: {  	[smem:$0x3FAD] =	sst s3  }
0xc: {  	[smem:$0x3FAE] =	sst s4  }
0xd: {  	[smem:$0x3FAF] =	sst s5  }
0xe: {  	[smem:$0x3FB0] =	sst s6  }
0xf: {  	[smem:$0x3FB1] =	sst s7  }
0x10: {  	[smem:$0x3FB2] =	sst s8  }
0x11: {  	[smem:$0x3FB3] =	sst s9;
	s0 =	simm.s32 @!p0 $0x0  }
0x12: {  	s1 =	sld [smem:$0x3F99];
	s0 =	simm.s32 @p0 $0x1  }
0x13: {  	[smem:$0x3FB4] =	sst s0;
	s0 =	simm.s32 @!p1 $0x0  }
0x14: {  	s2 =	sld [smem:$0x3F98];
	s0 =	simm.s32 @p1 $0x1  }
0x15: {  	[smem:$0x3FB5] =	sst s0;
	s0 =	simm.s32 @!p2 $0x0  }
0x16: {  	s3 =	sld [smem:$0x3FDB];
	s0 =	simm.s32 @p2 $0x1  }
0x17: {  	s4 =	simm.s32 $0x1BF5;
	[smem:$0x3FB7] =	sst s0  }
0x18: {  	s0 =	sld [smem:$0x3F9A];
	_ =	swait.ge [sflag:s4], $0x0  }
0x19: {  	s7 =	sld [smem:$0x3F9B]  }
0x1a: {  	s8 =	sadd.s32 $0xFFFFE003, lr  }
0x1b: {  	s9 =	sadd.s32 $0xFFFFFEF7, lr;
	s5 =	simm.s32 $0xFFFFFFFF;
	p2 =	slt.u32 s8, $0xFFFFF086  }
0x1c: {  	p1 =	slt.u32 s9, $0xF7A;
	s5 =	simm.s32 @!p2 $0x0  }
0x1d: {  	s5 =	simm.s32 @p1 $0x1;
	p0 =	seq.s32 s7, s2  }
0x1e: {  	s7 =	smul.u32 @!p0 $0xF7A, s2;
	p2 =	seq.s32 @!p0 s5, $0x0  }
0x1f: {  	s9 =	smul.u32 $0xF7A, s1;
	s8 =	simm.s32 @!p0 $0x1BF5;
	p2 =	por !p2, p0  }
0x20: {  	[sflag:s8] =	ssyncset.s32 @!p0 $0xFFFFF086;
	s6 =	sadd.s32 @!p0 s3, s7;
	s7 =	simm.s32 @!p0 $0x108  }
0x21: {  	s3 =	sadd.s32 s3, s9;
	s6 =	sadd.s32 @!p0 $0x88, s6;
	s7 =	simm.s32 @p2 $0x1082  }
0x22: {  	[simem:s7], [sflag:s8] =	dma.local @!p0 [hbm:s6], $0xF7A  }
0x23: {  	s9 =	sor.u32 $0xD0000000, s2;
	s6 =	simm.s32 $0x108;
	_ =	swait.ge @!p0 [sflag:s8], $0x0  }
0x24: {  	s3 =	sadd.s32 $0x88, s3;
	s6 =	simm.s32 @!p1 $0x1082;
	[sflag:s4] =	ssyncset.s32 $0xFFFFF086  }
0x25: {  	[simem:s6], [sflag:s4] =	dma.local [hbm:s3], $0xF7A  }
0x26: {  	[smem:$0x3F9B] =	sst s1;
	(tag) =	ssettag s2;
	_ =	strace s9  }
0x27: {  	s1 =	sld [smem:$0x3FAB]  }
0x28: {  	s2 =	sld [smem:$0x3FAC]  }
0x29: {  	s4 =	sld [smem:$0x3FAE]  }
0x2a: {  	p0 =	seq.s32 s5, $0x0;
	s5 =	sld [smem:$0x3FAF]  }
0x2b: {  	s6 =	sld [smem:$0x3FB0]  }
0x2c: {  	s7 =	sld [smem:$0x3FB1]  }
0x2d: {  	s3 =	simm.s32 $0x108;
	s8 =	sld [smem:$0x3FB2]  }
0x2e: {  	s3 =	simm.s32 @!p0 $0x1082;
	s9 =	sld [smem:$0x3FB3]  }
0x2f: {  	lr =	sadd.s32 s0, s3;
	s0 =	sld [smem:$0x3FAA]  }
0x30: {  	s3 =	sld [smem:$0x3FAD]  }
0x31: {  	[smem:$0x3FB6] =	sst s10  }
0x32: {  	s10 =	sld [smem:$0x3FB4];
	_ =	sdelay $0x3  }
0x33: {  	p0 =	seq.s32 s10, $0x1;
	s10 =	sld [smem:$0x3FB6];
	_ =	sdelay $0x3  }
0x34: {  	[smem:$0x3FB6] =	sst s10  }
0x35: {  	s10 =	sld [smem:$0x3FB5];
	_ =	sdelay $0x3  }
0x36: {  	p1 =	seq.s32 s10, $0x1;
	s10 =	sld [smem:$0x3FB6];
	_ =	sdelay $0x3  }
0x37: {  	[smem:$0x3FB6] =	sst s10  }
0x38: {  	s10 =	sld [smem:$0x3FB7]  }
0x39: {  	_ = 	snop;
	(pc) =	sbr.ind lr, $3  }
0x3a: {  	_ = 	snop  }
0x3b: {  	_ = 	snop  }
0x3c: {  	p2 =	seq.s32 s10, $0x1;
	s10 =	sld [smem:$0x3FB6]  }
0x3d: {  	_ =	shalt  }
0x3e: {  	_ =	shalt  }
0x3f: {  	_ =	shalt  }
0x40: {  	_ =	shalt  }
0x41: {  	_ =	shalt  }
0x42: {  	_ =	shalt  }
0x43: {  	_ =	shalt  }
0x44: {  	_ =	shalt  }
0x45: {  	_ =	shalt  }
0x46: {  	_ =	shalt  }
0x47: {  	_ =	shalt  }
0x48: {  	_ =	shalt  }
0x49: {  	_ =	shalt  }
0x4a: {  	_ =	shalt  }
0x4b: {  	_ =	shalt  }
0x4c: {  	_ =	shalt  }
0x4d: {  	_ =	shalt  }
0x4e: {  	_ =	shalt  }
0x4f: {  	_ =	shalt  }
0x50: {  	_ =	shalt  }
0x51: {  	_ =	shalt  }
0x52: {  	_ =	shalt  }
0x53: {  	_ =	shalt  }
0x54: {  	_ =	shalt  }
0x55: {  	_ =	shalt  }
0x56: {  	_ =	shalt  }
0x57: {  	_ =	shalt  }
0x58: {  	_ =	shalt  }
0x59: {  	_ =	shalt  }
0x5a: {  	_ =	shalt  }
0x5b: {  	_ =	shalt  }
0x5c: {  	_ =	shalt  }
0x5d: {  	_ =	shalt  }
0x5e: {  	_ =	shalt  }
0x5f: {  	_ =	shalt  }
0x60: {  	_ =	shalt  }
0x61: {  	_ =	shalt  }
0x62: {  	_ =	shalt  }
0x63: {  	_ =	shalt  }
0x64: {  	_ =	shalt  }
0x65: {  	_ =	shalt  }
0x66: {  	_ =	shalt  }
0x67: {  	_ =	shalt  }
0x68: {  	_ =	shalt  }
0x69: {  	_ =	shalt  }
0x6a: {  	_ =	shalt  }
0x6b: {  	_ =	shalt  }
0x6c: {  	_ =	shalt  }
0x6d: {  	_ =	shalt  }
0x6e: {  	_ =	shalt  }
0x6f: {  	_ =	shalt  }
0x70: {  	_ =	shalt  }
0x71: {  	_ =	shalt  }
0x72: {  	_ =	shalt  }
0x73: {  	_ =	shalt  }
0x74: {  	_ =	shalt  }
0x75: {  	_ =	shalt  }
0x76: {  	_ =	shalt  }
0x77: {  	_ =	shalt  }
0x78: {  	_ =	shalt  }
0x79: {  	_ =	shalt  }
0x7a: {  	_ =	shalt  }
0x7b: {  	_ =	shalt  }
0x7c: {  	_ =	shalt  }
0x7d: {  	_ =	shalt  }
0x7e: {  	_ =	shalt  }
0x7f: {  	_ =	shalt  }
0x80: {  	_ =	shalt  }
0x81: {  	_ =	shalt  }
0x82: {  	_ =	shalt  }
0x83: {  	_ =	shalt  }
0x84: {  	_ =	shalt  }
0x85: {  	_ =	shalt  }
0x86: {  	_ =	shalt  }
0x87: {  	_ =	shalt  }
.Lfunc_end0:
.L_simem_size_0:
called_computation_lowered:
.L_overlay_start_0:
0x88: {  	s2 =	sld [smem:$0x3FD9]  }
0x89: {  	s3 =	sld [smem:$0x3FFE];
	_ =	sdelay $0x1  }
0x8a: {  	s1 =	srdreg.scid  }
0x8b: {  	s0 =	sand.u32 $0x1, s1  }
0x8c: {  	s17 =	sshll.u32 s0, $0xA;
	s2 =	sadd.s32 s3, s2  }
0x8d: {  	s2 =	sadd.s32 s2, s17  }
0x8e: {  	[smem:$0x3FC2] =	sst s2  }
0x8f: {  	_ = 	snop  }
0x90: {  	s2 =	sld [smem:$0x3FC9]  }
0x91: {  	s18 =	sld [smem:$0x3FC8]  }
0x92: {  	s4 =	sld [smem:$0x3FC7]  }
0x93: {  	s5 =	sld [smem:$0x3FD0];
	(tm) =	ssettm $0x1  }
0x94: {  	s6 =	sld [smem:$0x3FFB];
	_ =	sdelay $0x3  }
0x95: {  	_ =	strace s6  }
0x96: {  	s6 =	sld [smem:$0x3FFC];
	_ =	sdelay $0x3  }
0x97: {  	_ =	strace s6  }
0x98: {  	s6 =	sld [smem:$0x3FFD];
	_ =	sdelay $0x3  }
0x99: {  	_ =	strace s6  }
0x9a: {  	_ =	strace $0x8FFFFFFF  }
0x9b: {  	s19 =	sld [smem:$0x3FDB];
	_ =	sdelay $0x1  }
0x9c: {  	s7 =	simm.s32 $_scs_section_size  }
0x9d: {  	s8 =	simm.s32 $_size__tile_overlayer_lowered;
	s9 =	simm.s32 $_tile_overlayer_lowered  }
0x9e: {  	s22 =	simm.s32 $0x1BFF;
	s21 =	sshll.u32 s9, $0x1;
	s6 =	sadd.s32 s7, s19  }
0x9f: {  	s10 =	simm.s32 $0x0;
	s20 =	sshll.u32 s8, $0x1;
	s8 =	sadd.s32 s21, s6  }
0xa0: {  	[timem:s10], [sflag:s22] =	dma.local [hbm:s8], s20  }
0xa1: {  	_ =	swait.ge [sflag:s22], s20  }
0xa2: {  	s7 =	ssub.s32 $0x0, s20;
	[sflag:s22] =	ssyncset.done $0x0  }
0xa3: {  	[sflag:s22] =	ssyncadd.s32 s7;
	_ =	sdelay $0x1  }
0xa4: {  	s23 =	simm.s32 $0x1B8B  }
0xa5: {  	_ =	swait.ge [sflag:s23], $0x1  }
0xa6: {  	[sflag:s23] =	ssyncset.done $0x0  }
0xa7: {  	s25 =	simm.s32 $0x1B8E;
	s24 =	sld [smem:$0x3FFE];
	[sflag:s23] =	ssyncadd.s32 $0xFFFFFFFF  }
0xa8: {  	s26 =	simm.s32 $execute0_lowered;
	[smem:$0x3FD2] =	sst s25  }
0xa9: {  	s8 =	sshll.u32 s26, $0x1;
	_ =	strace $0x80000046;
	[dreg:$0x1] =	wrdreg $0xFFFFFFFF  }
0xaa: {  	s28 =	simm.s32 $_size_execute0_lowered;
	s6 =	sadd.s32 s6, s8;
	[dreg:$0x0] =	wrdreg $0x0  }
0xab: {  	s8 =	sshll.u32 s28, $0x1;
	[dreg:$0x2] =	wrdreg s6  }
0xac: {  	[dreg:$0x3] =	wrdreg s8  }
0xad: {  	[dreg:$0x4] =	wrdreg $0xC0  }
0xae: {  	_ =	task [dreg:s10], $0x5FFFF  }
0xaf: {  	[dreg:$0x1] =	wrdreg $0xFFFFFFFF  }
0xb0: {  	[dreg:$0x0] =	wrdreg $0x60  }
0xb1: {  	[dreg:$0x2] =	wrdreg s2  }
0xb2: {  	[dreg:$0x3] =	wrdreg s18  }
0xb3: {  	[dreg:$0x4] =	wrdreg s4  }
0xb4: {  	[dreg:$0x5] =	wrdreg s5  }
0xb5: {  	[dreg:$0x6] =	wrdreg s24  }
0xb6: {  	[dreg:$0x7] =	wrdreg $0x9  }
0xb7: {  	_ =	task.clear_ibuf [dreg:s10], $0x8FFFF;
	_ =	strace $0x90000046  }
0xb8: {  	s29 =	simm.s32 $0x9;
	_ =	strace $0x80000048  }
0xb9: {  	_ =	swait.ge [sflag:s29], $0x1  }
0xba: {  	[sflag:s29] =	ssyncadd.s32 $0xFFFFFFFF  }
0xbb: {  	_ =	strace $0x90000048  }
0xbc: {  	_ =	sfence  }
0xbd: {  	s30 =	sld [smem:$0x0];
	_ =	sdelay $0x2  }
0xbe: {  	s31 =	sshll.u32 s1, $0xD;
	s1 =	sshrl.u32 s1, $0x2  }
0xbf: {  	s3 =	sand.u32 $0x4000, s31;
	s1 =	sadd.s32 s1, s30  }
0xc0: {  	s0 =	sor.u32 s3, s0;
	s1 =	sshll.u32 s1, $0x11  }
0xc1: {  	s0 =	sor.u32 s1, s0  }
0xc2: {  	s0 =	sadd.s32 $0x8F2B, s0  }
0xc3: {  	[sflag:s0] =	ssyncadd.remote.s32 $0x1  }
0xc4: {  	_ =	sfence.sel $0xFFFF  }
0xc5: {  	[dreg:$0x0] =	wrdreg $0xFFFFFFFF;
	(pc) =	sbr.abs _section_cstart, $3  }
0xc6: {  	[dreg:$0x1] =	wrdreg $0xFFFFFFFF  }
0xc7: {  	_ =	task.clear_ibuf [dreg:s10], $0x2FFFF;
	_ =	strace $0x9FFFFFFF  }
0xc8: {  	(tm) =	ssettm $0x7FFFFFFF  }
0xc9: {  	_ =	shalt  }
tec
execute0_lowered:
.L_overlay_start_1:
0x0: {  	(tag) =	ssettag $0x1  }
0x1: {  	s4 =	rddreg [dreg:$0x0]  }
0x2: {  	s5 =	rddreg [dreg:$0x1]  }
0x3: {  	s6 =	rddreg [dreg:$0x2]  }
0x4: {  	s2 =	rddreg [dreg:$0x3]  }
0x5: {  	s7 =	rddreg [dreg:$0x4];
	s3 =	srdreg.scid  }
0x6: {  	s0 =	rddreg [dreg:$0x5];
	s1 =	stileid.u32;
	s12 =	simm.s32 $0x80  }
0x7: {  	s13 =	simm.s32 $0x600;
	s14 =	simm.s32 $0x800;
	s15 =	simm.s32 $0x1  }
0x8: {  	s16 =	simm.s32 $0x680;
	s17 =	simm.s32 $0x4800;
	s18 =	simm.s32 $0x700  }
0x9: {  	s19 =	simm.s32 $0x8800;
	s20 =	simm.s32 $0x780;
	s21 =	simm.s32 $0xC800  }
0xa: {  	s8 =	sand.u32 $0x1, s3;
	s3 =	simm.s32 $0x0;
	s9 =	sshll.u32 s1, $0xA  }
0xb: {  	s10 =	sshll.u32 s8, $0x9;
	[smem:$0x7FF] =	sst s3;
	s8 =	ssub.s32 $0x2, s8  }
0xc: {  	s9 =	sor.u32 s10, s9;
	_ =	strace $0x80000047;
	s11 =	sshrl.u32 s8, $0x1  }
0xd: {  	s10 =	sshll.u32 s9, $0x4;
	s8 =	ssub.s32 s8, s11;
	s9 =	sshrl.u32 s9, $0x3  }
0xe: {  	s11 =	simm.s32 $0x400;
	s7 =	sadd.s32 s10, s7;
	s4 =	sadd.s32 s4, s9  }
0xf: {  	s5 =	sadd.s32 s5, s9;
	s6 =	sadd.s32 s6, s9;
	s8 =	smax.u32 s8, $0x1  }
0x10: {  	s9 =	simm.s32 $0x2;
	s10 =	simm.s32 $0x200;
	s7 =	sadd.s32 $0xC00, s7  }
.LBB2_1:
0x11: {  	[tilespmem:s3], [sflag:$0x2] =	stream.linear.gather [hbm4b:s4+s3], $0x200, $0x38;
	[tilespmem:$0x10800] =	vst v63  }
0x12: {  	_ =	swait.ge [sflag:s9], $0x200  }
0x13: {  	[sflag:s9] =	ssyncset.done $0x0  }
0x14: {  	[sflag:s9] =	ssyncadd.s32 $0xFFFFFE00  }
0x15: {  	[tilespmem:s10], [sflag:$0x2] =	stream.linear.gather [hbm4b:s5+s3], $0x200, $0x38;
	[tilespmem:$0x10800] =	vst v63  }
0x16: {  	_ =	swait.ge [sflag:s9], $0x200  }
0x17: {  	[sflag:s9] =	ssyncset.done $0x0  }
0x18: {  	[sflag:s9] =	ssyncadd.s32 $0xFFFFFE00  }
0x19: {  	[tilespmem:s11], [sflag:$0x2] =	stream.linear.gather [hbm4b:s6+s3], $0x200, $0x38;
	[tilespmem:$0x10800] =	vst v63  }
0x1a: {  	_ =	swait.ge [sflag:s9], $0x200  }
0x1b: {  	[sflag:s9] =	ssyncset.done $0x0  }
0x1c: {  	[sflag:s9] =	ssyncadd.s32 $0xFFFFFE00  }
0x1d: {  	v0 =	vld [tilespmem:$0x0]  }
0x1e: {  	v1 =	vld [tilespmem:$0x200]  }
0x1f: {  	v2 =	vld [tilespmem:$0x400]  }
0x20: {  	v3 =	vld [tilespmem:$0x10]  }
0x21: {  	v4 =	vld [tilespmem:$0x210]  }
0x22: {  	v5 =	vld [tilespmem:$0x410]  }
0x23: {  	v6 =	vld [tilespmem:$0x20]  }
0x24: {  	v7 =	vld [tilespmem:$0x220]  }
0x25: {  	v8 =	vld [tilespmem:$0x420]  }
0x26: {  	v9 =	vld [tilespmem:$0x30]  }
0x27: {  	v10 =	vld [tilespmem:$0x230]  }
0x28: {  	v11 =	vld [tilespmem:$0x430]  }
0x29: {  	v12 =	vld [tilespmem:$0x40]  }
0x2a: {  	v13 =	vld [tilespmem:$0x240]  }
0x2b: {  	v14 =	vld [tilespmem:$0x440]  }
0x2c: {  	v15 =	vld [tilespmem:$0x50]  }
0x2d: {  	v16 =	vld [tilespmem:$0x250]  }
0x2e: {  	v17 =	vld [tilespmem:$0x450]  }
0x2f: {  	v18 =	vld [tilespmem:$0x60]  }
0x30: {  	v19 =	vld [tilespmem:$0x260]  }
0x31: {  	v20 =	vld [tilespmem:$0x460]  }
0x32: {  	v21 =	vld [tilespmem:$0x70]  }
0x33: {  	v22 =	vld [tilespmem:$0x270]  }
0x34: {  	v23 =	vld [tilespmem:$0x470]  }
0x35: {  	v24 =	vld [tilespmem:$0x80]  }
0x36: {  	v25 =	vld [tilespmem:$0x280]  }
0x37: {  	v26 =	vld [tilespmem:$0x480]  }
0x38: {  	v27 =	vld [tilespmem:$0x90]  }
0x39: {  	v28 =	vld [tilespmem:$0x290]  }
0x3a: {  	v29 =	vld [tilespmem:$0x490]  }
0x3b: {  	v30 =	vld [tilespmem:$0xA0]  }
0x3c: {  	v31 =	vld [tilespmem:$0x2A0]  }
0x3d: {  	v32 =	vld [tilespmem:$0x4A0]  }
0x3e: {  	v33 =	vld [tilespmem:$0xB0]  }
0x3f: {  	v34 =	vld [tilespmem:$0x2B0]  }
0x40: {  	v35 =	vld [tilespmem:$0x4B0]  }
0x41: {  	v36 =	vld [tilespmem:$0xC0]  }
0x42: {  	v37 =	vld [tilespmem:$0x2C0]  }
0x43: {  	v38 =	vld [tilespmem:$0x4C0]  }
0x44: {  	v39 =	vld [tilespmem:$0xD0]  }
0x45: {  	v40 =	vld [tilespmem:$0x2D0]  }
0x46: {  	v41 =	vld [tilespmem:$0x4D0]  }
0x47: {  	v42 =	vld [tilespmem:$0xE0]  }
0x48: {  	v43 =	vld [tilespmem:$0x2E0]  }
0x49: {  	v44 =	vld [tilespmem:$0x4E0]  }
0x4a: {  	v45 =	vld [tilespmem:$0xF0]  }
0x4b: {  	v46 =	vld [tilespmem:$0x2F0]  }
0x4c: {  	v47 =	vld [tilespmem:$0x4F0]  }
0x4d: {  	v48 =	vld [tilespmem:$0x100]  }
0x4e: {  	v49 =	vld [tilespmem:$0x300]  }
0x4f: {  	v50 =	vld [tilespmem:$0x500]  }
0x50: {  	v51 =	vld [tilespmem:$0x110]  }
0x51: {  	v52 =	vld [tilespmem:$0x310]  }
0x52: {  	v53 =	vld [tilespmem:$0x510]  }
0x53: {  	v54 =	vld [tilespmem:$0x120]  }
0x54: {  	v55 =	vld [tilespmem:$0x320]  }
0x55: {  	v56 =	vld [tilespmem:$0x520]  }
0x56: {  	v57 =	vld [tilespmem:$0x130];
	v0 =	vshll.u32 v0, $0x2;
	v1 =	vshll.u32 v1, $0x1  }
0x57: {  	v60 =	vshll.u32 v3, $0x2;
	v61 =	vshll.u32 v4, $0x1;
	v4 =	vld [tilespmem:$0x330];
	v62 =	vshll.u32 v6, $0x2  }
0x58: {  	v63 =	vshll.u32 v7, $0x1;
	v7 =	vld [tilespmem:$0x530];
	v59 =	vshll.u32 v9, $0x2;
	v16 =	vshll.u32 v16, $0x1  }
0x59: {  	v3 =	vld [tilespmem:$0x140];
	v18 =	vshll.u32 v18, $0x2;
	v19 =	vshll.u32 v19, $0x1;
	v21 =	vshll.u32 v21, $0x2  }
0x5a: {  	v0 =	vadd.s32 v0, v1;
	v1 =	vadd.s32 v60, v61;
	v60 =	vshll.u32 v10, $0x1;
	v10 =	vld [tilespmem:$0x540]  }
0x5b: {  	v22 =	vshll.u32 v22, $0x1;
	v58 =	vadd.s32 v62, v63;
	v62 =	vshll.u32 v13, $0x1;
	v13 =	vld [tilespmem:$0x150]  }
0x5c: {  	v24 =	vshll.u32 v24, $0x2;
	v25 =	vshll.u32 v25, $0x1;
	v63 =	vshll.u32 v15, $0x2;
	v15 =	vld [tilespmem:$0x550]  }
0x5d: {  	v27 =	vshll.u32 v27, $0x2;
	v61 =	vshll.u32 v12, $0x2;
	v12 =	vadd.s32 v18, v19;
	v19 =	vld [tilespmem:$0x360]  }
0x5e: {  	v18 =	vld [tilespmem:$0x560];
	v0 =	vadd.s32 v2, v0;
	v1 =	vadd.s32 v5, v1;
	v2 =	vadd.s32 v8, v58  }
0x5f: {  	v8 =	vld [tilespmem:$0x340];
	v5 =	vadd.s32 v59, v60;
	v6 =	vadd.s32 v61, v62;
	v9 =	vadd.s32 v63, v16  }
0x60: {  	v12 =	vadd.s32 v20, v12;
	v16 =	vadd.s32 v24, v25;
	v58 =	vshll.u32 v28, $0x1;
	v24 =	vld [tilespmem:$0x570]  }
0x61: {  	v60 =	vshll.u32 v30, $0x2;
	v61 =	vshll.u32 v31, $0x1;
	v63 =	vshll.u32 v33, $0x2;
	v20 =	vld [tilespmem:$0x180]  }
0x62: {  	v28 =	vshll.u32 v34, $0x1;
	v30 =	vshll.u32 v36, $0x2;
	v31 =	vshll.u32 v37, $0x1;
	v25 =	vld [tilespmem:$0x380]  }
0x63: {  	v33 =	vshll.u32 v40, $0x1;
	v34 =	vshll.u32 v42, $0x2;
	v37 =	vshll.u32 v46, $0x1;
	v46 =	vld [tilespmem:$0x5A0];
	[tilespmem:$0x600] =	vst v0  }
0x64: {  	v36 =	vshll.u32 v45, $0x2;
	v42 =	vshll.u32 v52, $0x1;
	v5 =	vadd.s32 v11, v5;
	v11 =	vld [tilespmem:$0x350];
	[tilespmem:$0x610] =	vst v1  }
0x65: {  	v52 =	vshll.u32 v57, $0x2;
	v6 =	vadd.s32 v14, v6;
	v9 =	vadd.s32 v17, v9;
	v17 =	vld [tilespmem:$0x160];
	[tilespmem:$0x620] =	vst v2  }
0x66: {  	v14 =	vadd.s32 v21, v22;
	v16 =	vadd.s32 v26, v16;
	v22 =	vld [tilespmem:$0x170];
	v59 =	vadd.s32 v27, v58;
	[tilespmem:$0x660] =	vst v12  }
0x67: {  	v62 =	vadd.s32 v60, v61;
	v26 =	vld [tilespmem:$0x580];
	v14 =	vadd.s32 v23, v14;
	v0 =	vadd.s32 v29, v59;
	[tilespmem:$0x630] =	vst v5  }
0x68: {  	v27 =	vld [tilespmem:$0x190];
	v1 =	vadd.s32 v32, v62;
	v29 =	vadd.s32 v63, v28;
	[tilespmem:$0x640] =	vst v6;
	v5 =	vadd.s32 v30, v31  }
0x69: {  	v12 =	vld [tilespmem:$0x390];
	v32 =	vshll.u32 v39, $0x2;
	[tilespmem:$0x650] =	vst v9;
	v39 =	vshll.u32 v49, $0x1;
	v49 =	vshll.u32 v55, $0x1  }
0x6a: {  	v23 =	vld [tilespmem:$0x370];
	[tilespmem:$0x680] =	vst v16;
	v2 =	vadd.s32 v35, v29;
	v6 =	vadd.s32 v32, v33;
	v35 =	vshll.u32 v43, $0x1  }
0x6b: {  	v28 =	vld [tilespmem:$0x590];
	v5 =	vadd.s32 v38, v5;
	[tilespmem:$0x670] =	vst v14;
	v14 =	vadd.s32 v36, v37;
	v38 =	vshll.u32 v48, $0x2  }
0x6c: {  	v55 =	vld [tilespmem:$0x1C0];
	[tilespmem:$0x690] =	vst v0;
	v48 =	vshll.u32 v54, $0x2;
	v4 =	vshll.u32 v4, $0x1;
	v3 =	vshll.u32 v3, $0x2  }
0x6d: {  	v59 =	vld [tilespmem:$0x3C0];
	[tilespmem:$0x6A0] =	vst v1;
	v6 =	vadd.s32 v41, v6;
	v9 =	vadd.s32 v34, v35;
	v40 =	vadd.s32 v38, v39  }
0x6e: {  	v63 =	vld [tilespmem:$0x5C0];
	v41 =	vshll.u32 v51, $0x2;
	[tilespmem:$0x6B0] =	vst v2;
	v51 =	vadd.s32 v48, v49;
	v4 =	vadd.s32 v52, v4  }
0x6f: {  	v29 =	vld [tilespmem:$0x1A0];
	[tilespmem:$0x6C0] =	vst v5;
	v57 =	vshll.u32 v13, $0x2;
	v62 =	vshll.u32 v19, $0x1;
	v9 =	vadd.s32 v44, v9  }
0x70: {  	v43 =	vld [tilespmem:$0x3A0];
	v44 =	vadd.s32 v47, v14;
	v0 =	vadd.s32 v50, v40;
	v45 =	vadd.s32 v41, v42;
	[tilespmem:$0x6D0] =	vst v6  }
0x71: {  	v38 =	vld [tilespmem:$0x1E0];
	v54 =	vshll.u32 v8, $0x1;
	v5 =	vadd.s32 v56, v51;
	v4 =	vadd.s32 v7, v4;
	[tilespmem:$0x6E0] =	vst v9  }
0x72: {  	v50 =	vld [tilespmem:$0x1B0];
	v32 =	vshll.u32 v20, $0x2;
	v33 =	vshll.u32 v25, $0x1;
	v47 =	vadd.s32 v53, v45;
	[tilespmem:$0x6F0] =	vst v44  }
0x73: {  	v8 =	vld [tilespmem:$0x5B0];
	v3 =	vadd.s32 v3, v54;
	v58 =	vshll.u32 v11, $0x1;
	[tilespmem:$0x700] =	vst v0;
	v61 =	vshll.u32 v17, $0x2  }
0x74: {  	v42 =	vld [tilespmem:$0x3E0];
	v17 =	vshll.u32 v22, $0x2;
	[tilespmem:$0x720] =	vst v5;
	v35 =	vadd.s32 v32, v33;
	v36 =	vshll.u32 v27, $0x2  }
0x75: {  	v51 =	vld [tilespmem:$0x5E0];
	[tilespmem:$0x730] =	vst v4;
	v37 =	vshll.u32 v12, $0x1;
	v56 =	vadd.s32 v10, v3;
	v60 =	vadd.s32 v57, v58  }
0x76: {  	v53 =	vld [tilespmem:$0x3B0];
	[tilespmem:$0x710] =	vst v47;
	v14 =	vadd.s32 v61, v62;
	v19 =	vshll.u32 v23, $0x1;
	v39 =	vadd.s32 v36, v37  }
0x77: {  	v22 =	vld [tilespmem:$0x1D0];
	v1 =	vadd.s32 v26, v35;
	v49 =	vshll.u32 v55, $0x2;
	v0 =	vadd.s32 v15, v60;
	[tilespmem:$0x740] =	vst v56  }
0x78: {  	v44 =	vld [tilespmem:$0x1F0];
	v3 =	vadd.s32 v17, v19;
	v40 =	vshll.u32 v29, $0x2;
	v41 =	vshll.u32 v43, $0x1;
	[tilespmem:$0x780] =	vst v1  }
0x79: {  	v23 =	vld [tilespmem:$0x3D0];
	v2 =	vadd.s32 v18, v14;
	v3 =	vadd.s32 v24, v3;
	[tilespmem:$0x750] =	vst v0;
	v43 =	vadd.s32 v40, v41  }
0x7a: {  	v47 =	vld [tilespmem:$0x3F0];
	[tilespmem:$0x760] =	vst v2;
	v0 =	vadd.s32 v28, v39;
	v57 =	vshll.u32 v38, $0x2;
	v2 =	vadd.s32 v46, v43  }
0x7b: {  	v34 =	vld [tilespmem:$0x5D0];
	[tilespmem:$0x770] =	vst v3;
	v45 =	vshll.u32 v50, $0x2;
	v50 =	vshll.u32 v59, $0x1;
	v58 =	vshll.u32 v42, $0x1  }
0x7c: {  	v54 =	vld [tilespmem:$0x5F0];
	[tilespmem:$0x790] =	vst v0;
	v46 =	vshll.u32 v53, $0x1;
	v52 =	vadd.s32 v49, v50;
	v53 =	vshll.u32 v22, $0x2  }
0x7d: {  	[tilespmem:$0x7A0] =	vst v2;
	v59 =	vadd.s32 v57, v58;
	v48 =	vadd.s32 v45, v46;
	v0 =	vadd.s32 v63, v52  }
0x7e: {  	v60 =	vshll.u32 v44, $0x2;
	v5 =	vshll.u32 v23, $0x1;
	v1 =	vadd.s32 v8, v48;
	[tilespmem:$0x7C0] =	vst v0  }
0x7f: {  	v61 =	vshll.u32 v47, $0x1;
	v55 =	vadd.s32 v53, v5;
	v0 =	vadd.s32 v51, v59;
	[tilespmem:$0x7B0] =	vst v1  }
0x80: {  	v62 =	vadd.s32 v60, v61;
	v56 =	vadd.s32 v34, v55;
	[tilespmem:$0x7E0] =	vst v0  }
0x81: {  	v63 =	vadd.s32 v54, v62;
	[tilespmem:$0x7D0] =	vst v56  }
0x82: {  	[tilespmem:$0x7F0] =	vst v63  }
0x83: {  	[tilespmem:s14], [sflag:$0x1] =	stream.indirect.gather [hbm4b:s2+s12], $0x80, s13, s12, $0xb8;
	[tilespmem:$0x10800] =	vst v63  }
0x84: {  	_ =	swait.ge [sflag:s15], $0x4000  }
0x85: {  	[sflag:s15] =	ssyncset.done $0x0  }
0x86: {  	[sflag:s15] =	ssyncadd.s32 $0xFFFFC000  }
0x87: {  	[tilespmem:s17], [sflag:$0x1] =	stream.indirect.gather [hbm4b:s2+s12], $0x80, s16, s12, $0xb8;
	[tilespmem:$0x10800] =	vst v63  }
0x88: {  	_ =	swait.ge [sflag:s15], $0x4000  }
0x89: {  	[sflag:s15] =	ssyncset.done $0x0  }
0x8a: {  	[sflag:s15] =	ssyncadd.s32 $0xFFFFC000  }
0x8b: {  	[tilespmem:s19], [sflag:$0x1] =	stream.indirect.gather [hbm4b:s2+s12], $0x80, s18, s12, $0xb8;
	[tilespmem:$0x10800] =	vst v63  }
0x8c: {  	_ =	swait.ge [sflag:s15], $0x4000  }
0x8d: {  	[sflag:s15] =	ssyncset.done $0x0  }
0x8e: {  	[sflag:s15] =	ssyncadd.s32 $0xFFFFC000  }
0x8f: {  	[tilespmem:s21], [sflag:$0x1] =	stream.indirect.gather [hbm4b:s2+s12], $0x80, s20, s12, $0xb8;
	[tilespmem:$0x10800] =	vst v63  }
0x90: {  	_ =	swait.ge [sflag:s15], $0x4000  }
0x91: {  	p0 =	sne.s32 s8, $0x1;
	[sflag:s15] =	ssyncset.done $0x0  }
.Ltmp0:
0x92: {  	[sflag:s15] =	ssyncadd.s32 $0xFFFFC000;
	(pc) =	sbr.rel @p0 .LBB2_1-.Ltmp0, $4  }
0x93: {  	[hbm4b:s7+s3] =	stream.linear.scatter [tilespmem:s14], [sflag:$0x2], $0x10000, $0x38;
	[tilespmem:$0x10800] =	vst v63  }
0x94: {  	_ =	swait.ge [sflag:s9], $0x10000  }
0x95: {  	[sflag:s9] =	ssyncset.done $0x0  }
0x96: {  	s8 =	sadd.s32 $0xFFFFFFFF, s8;
	[sflag:s9] =	ssyncadd.s32 $0xFFFF0000  }
0x97: {  	_ =	sfence.sel $0x180000  }
0x98: {  	[bflag:$0x0] =	sbarrier.arrive $0xFFFF  }
0x99: {  	p0 =	sne.s32 s1, $0x0;
	_ =	strace $0x90000047  }
0x9a: {  	s0 =	sadd.s32 @!p0 $0x100000, s0;
	[bflag:$0x2] =	sbarrier.arrive $0xFFFF  }
0x9b: {  	[sflag:s0] =	ssyncadd.tile.s32 @!p0 $0x1;
	_ =	shalt  }
.Lfunc_end2:
_tile_overlayer_lowered:
.L_overlay_start_2:
0x9c: {  	(tag) =	ssettag $0x2  }
0x9d: {  	s0 =	rddreg [dreg:$0x0];
	s2 =	stileid.u32  }
0x9e: {  	s1 =	rddreg [dreg:$0x1];
	p0 =	sne.s32 s2, $0x0  }
0x9f: {  	s3 =	rddreg [dreg:$0x2];
	[bflag:$0x3] =	sbarrier.arrive $0xFFFF;
	s2 =	simm.s32 @!p0 $0x1C02  }
0xa0: {  	[timem:s3], [sflag:s2] =	dma.local @!p0 [hbm:s0], s1  }
0xa1: {  	s0 =	simm.s32 @!p0 $0x2  }
0xa2: {  	_ =	swait.ge @!p0 [sflag:s0], s1  }
0xa3: {  	s1 =	ssub.s32 @!p0 $0x0, s1;
	[sflag:s0] =	ssyncset.done @!p0 $0x0  }
0xa4: {  	[sflag:s0] =	ssyncadd.s32 @!p0 s1  }
0xa5: {  	[bflag:$0x3] =	sbarrier.arrive $0xFFFF  }
0xa6: {  	_ =	shalt  }

</sc_bundles>
